<compile_context>
chip_gen: v7x
topology: tpu7x:2x2x1
jax: 0.10.2.dev20260603
libtpu: 0.0.44.dev20260713+nightly
codegen_flags: <defaults>
</compile_context>

<pallas_src>
import functools

import jax
import jax.numpy as jnp
from jax import lax
from jax.experimental import pallas as pl
from jax.experimental.pallas import tpu as pltpu
from jax.experimental.pallas import tpu_sc as plsc

VOCAB = 49408
CTX = 77
CTXP = 80
DIM = 512
BATCH = 4096

NC, NS = 2, 16
NW = NC * NS
BPW = BATCH // NW
NBUF = 2

assert BPW * NW == BATCH and BPW % NBUF == 0

_mesh = plsc.VectorSubcoreMesh(core_axis_name="c", subcore_axis_name="s")


@functools.partial(
    pl.kernel,
    out_type=jax.ShapeDtypeStruct((BATCH, CTX, DIM), jnp.float32),
    mesh=_mesh,
    scratch_types=[
        pltpu.VMEM((BPW, CTXP), jnp.int32),
        pltpu.VMEM((NBUF, CTXP, DIM), jnp.float32),
        pltpu.SemaphoreType.DMA,
        pltpu.SemaphoreType.DMA,
        pltpu.SemaphoreType.DMA,
        pltpu.SemaphoreType.DMA,
    ],
)
def _embed_gather(table_hbm, idx_hbm, out_hbm, idx_v, rows_v, g0, g1, w0, w1):
    wid = lax.axis_index("s") * NC + lax.axis_index("c")
    base = wid * BPW
    gsems = (g0, g1)
    wsems = (w0, w1)

    pltpu.sync_copy(idx_hbm.at[wid], idx_v)

    def gather_desc(j, b):
        return pltpu.make_async_copy(
            table_hbm.at[idx_v.at[j]], rows_v.at[b], gsems[b])

    def write_desc(j, b):
        return pltpu.make_async_copy(
            rows_v.at[b], out_hbm.at[base + j, pl.ds(0, CTXP)], wsems[b])

    for b in range(NBUF):
        gather_desc(b, b).start()

    ngrp = BPW // NBUF

    def body(g, carry):
        for b in range(NBUF):
            j = g * NBUF + b
            gather_desc(j, b).wait()
            write_desc(j, b).start()
            @pl.when(g < ngrp - 1)
            def _():
                write_desc(j, b).wait()
                gather_desc(j + NBUF, b).start()
        return carry

    lax.fori_loop(0, ngrp, body, 0, unroll=False)

    for b in range(NBUF):
        write_desc(BPW - NBUF + b, b).wait()


def kernel(tokenized_prompts, token_embedding_weight):
    idx = jnp.concatenate(
        [tokenized_prompts, tokenized_prompts[:, : CTXP - CTX]], axis=1)
    idx = idx.reshape(NW, BPW, CTXP)
    out = _embed_gather(token_embedding_weight, idx)
    return out, tokenized_prompts

# --- scband reference (transcript-rebuilt; emitter-appended) ---
"""Pipeline reference for scband-prompt-learner-stage0-23424751632470 (READ-ONLY COPY).

The authoritative reference and input builder live on the scoring server;
editing this copy changes nothing except your own understanding.
"""

import jax, jax.numpy as jnp
import numpy as np

VOCAB = 49408
CTX = 77
DIM = 512
BATCH = 4096

def setup_inputs(seed: int = 0) -> dict:
    key = jax.random.key(seed)
    k1, k2 = jax.random.split(key)
    tokenized_prompts = jax.random.randint(k1, (BATCH, CTX), 0, VOCAB, dtype=jnp.int64 if jax.config.read('jax_enable_x64') else jnp.int32).astype(jnp.int32)
    token_embedding_weight = jax.random.normal(k2, (VOCAB, DIM), dtype=jnp.float32) * 0.02
    return {"tokenized_prompts": tokenized_prompts, "token_embedding_weight": token_embedding_weight}

def reference(tokenized_prompts, token_embedding_weight):
    # Faithful to PromptLearnerStage0.forward after tokenization:
    # prompts = self.token_embedding(tokenized_prompts).type(self.dtype)
    prompts = jnp.take(token_embedding_weight, tokenized_prompts, axis=0).astype(jnp.float32)
    return (prompts, tokenized_prompts)

if __name__ == "__main__":
    import jax
    _d = setup_inputs()
    print(jax.jit(kernel)(*tuple(_d.values())))

</pallas_src>

<mosaic_0001>
#map = affine_map<(d0, d1) -> (0, 0)>
#map1 = affine_map<(d0, d1) -> (0, 0, 0)>
module attributes {stable_mosaic.version = 14 : i64} {
  func.func @_embed_gather(%arg0: i32, %arg1: i32, %arg2: memref<49408x512xf32, #tpu.memory_space<hbm>>, %arg3: memref<32x128x80xi32, #tpu.memory_space<hbm>>, %arg4: memref<4096x77x512xf32, #tpu.memory_space<hbm>>, %arg5: memref<128x80xi32, #tpu.memory_space<vmem>>, %arg6: memref<2x80x512xf32, #tpu.memory_space<vmem>>, %arg7: memref<!tpu.dma_semaphore, #tpu.memory_space<semaphore_mem>>, %arg8: memref<!tpu.dma_semaphore, #tpu.memory_space<semaphore_mem>>, %arg9: memref<!tpu.dma_semaphore, #tpu.memory_space<semaphore_mem>>, %arg10: memref<!tpu.dma_semaphore, #tpu.memory_space<semaphore_mem>>) attributes {dimension_semantics = [#tpu.dimension_semantics<core_parallel>, #tpu.dimension_semantics<subcore_parallel>], iteration_bounds = array<i64: 2, 16>, scalar_prefetch = 0 : i64, scratch_operands = 6 : i64, tpu.core_type = #tpu.core_type<sc_vector_subcore>, window_params = [{transform_indices = #map}, {transform_indices = #map1}, {transform_indices = #map1}]} {
    %mul3A = arith.constant 2 : i32
    %mul3A_0 = arith.muli %arg1, %mul3A : i32
    %add3A = arith.addi %mul3A_0, %arg0 : i32
    %mul3A_1 = arith.constant 128 : i32
    %mul3A_2 = arith.muli %add3A, %mul3A_1 : i32
    "tpu.region"() ({
      %run_scoped3A = tpu.sem_alloc : memref<!tpu.dma_semaphore, #tpu.memory_space<semaphore_mem>>
      %dma_start3A_68 = arith.constant 0 : i32
      %dma_start3A_69 = arith.constant 0 : i32
      %dma_start3A_70 = tpu.memref_slice %arg3[%add3A, %dma_start3A_68, %dma_start3A_69] : memref<32x128x80xi32, #tpu.memory_space<hbm>> -> memref<1x128x80xi32, #tpu.memory_space<hbm>>
      %dma_start3A_71 = tpu.memref_squeeze %dma_start3A_70 : memref<1x128x80xi32, #tpu.memory_space<hbm>> -> memref<128x80xi32, #tpu.memory_space<hbm>>
      %dma_start3A_72 = arith.constant 0 : i32
      %dma_start3A_73 = arith.constant 0 : i32
      %dma_start3A_74 = tpu.memref_slice %arg3[%add3A, %dma_start3A_72, %dma_start3A_73] : memref<32x128x80xi32, #tpu.memory_space<hbm>> -> memref<1x128x80xi32, #tpu.memory_space<hbm>>
      %dma_start3A_75 = tpu.memref_squeeze %dma_start3A_74 : memref<1x128x80xi32, #tpu.memory_space<hbm>> -> memref<128x80xi32, #tpu.memory_space<hbm>>
      tpu.enqueue_dma source(%dma_start3A_75 : memref<128x80xi32, #tpu.memory_space<hbm>>) target(%arg5 : memref<128x80xi32, #tpu.memory_space<vmem>>) target_semaphore(%run_scoped3A : memref<!tpu.dma_semaphore, #tpu.memory_space<semaphore_mem>>)
      %dma_wait3A_76 = arith.constant 0 : i32
      %dma_wait3A_77 = arith.constant 0 : i32
      %dma_wait3A_78 = tpu.memref_slice %arg3[%add3A, %dma_wait3A_76, %dma_wait3A_77] : memref<32x128x80xi32, #tpu.memory_space<hbm>> -> memref<1x128x80xi32, #tpu.memory_space<hbm>>
      %dma_wait3A_79 = tpu.memref_squeeze %dma_wait3A_78 : memref<1x128x80xi32, #tpu.memory_space<hbm>> -> memref<128x80xi32, #tpu.memory_space<hbm>>
      %dma_wait3A_80 = arith.constant 0 : i32
      %dma_wait3A_81 = arith.constant 0 : i32
      %dma_wait3A_82 = tpu.memref_slice %arg3[%add3A, %dma_wait3A_80, %dma_wait3A_81] : memref<32x128x80xi32, #tpu.memory_space<hbm>> -> memref<1x128x80xi32, #tpu.memory_space<hbm>>
      %dma_wait3A_83 = tpu.memref_squeeze %dma_wait3A_82 : memref<1x128x80xi32, #tpu.memory_space<hbm>> -> memref<128x80xi32, #tpu.memory_space<hbm>>
      tpu.wait_dma2 semaphore(%run_scoped3A : memref<!tpu.dma_semaphore, #tpu.memory_space<semaphore_mem>>) src(%dma_wait3A_83 : memref<128x80xi32, #tpu.memory_space<hbm>>) dst(%arg5 : memref<128x80xi32, #tpu.memory_space<vmem>>)
      tpu.yield
    }) : () -> ()
    %dma_start3A = arith.constant 0 : i32
    %dma_start3A_3 = arith.constant 0 : i32
    %dma_start3A_4 = arith.constant 0 : i32
    %dma_start3A_5 = arith.constant 0 : i32
    %dma_start3A_6 = tpu.memref_slice %arg6[%dma_start3A_3, %dma_start3A_4, %dma_start3A_5] : memref<2x80x512xf32, #tpu.memory_space<vmem>> -> memref<1x80x512xf32, #tpu.memory_space<vmem>>
    %dma_start3A_7 = tpu.memref_squeeze %dma_start3A_6 : memref<1x80x512xf32, #tpu.memory_space<vmem>> -> memref<80x512xf32, #tpu.memory_space<vmem>>
    %dma_start3A_8 = arith.constant 0 : i32
    %dma_start3A_9 = tpu.memref_slice %arg5[%dma_start3A, %dma_start3A_8] : memref<128x80xi32, #tpu.memory_space<vmem>> -> memref<1x80xi32, #tpu.memory_space<vmem>>
    %dma_start3A_10 = tpu.memref_squeeze %dma_start3A_9 : memref<1x80xi32, #tpu.memory_space<vmem>> -> memref<80xi32, #tpu.memory_space<vmem>>
    %dma_start3A_11 = arith.constant 0 : i32
    %dma_start3A_12 = arith.constant 0 : i32
    %dma_start3A_13 = tpu.memref_slice %arg2[%dma_start3A_11, %dma_start3A_12] : memref<49408x512xf32, #tpu.memory_space<hbm>> -> memref<49408x512xf32, #tpu.memory_space<hbm>>
    tpu.enqueue_indirect_dma source(%dma_start3A_13 : memref<49408x512xf32, #tpu.memory_space<hbm>>) target(%dma_start3A_7 : memref<80x512xf32, #tpu.memory_space<vmem>>) offsets(%dma_start3A_10 : memref<80xi32, #tpu.memory_space<vmem>>) semaphore(%arg7 : memref<!tpu.dma_semaphore, #tpu.memory_space<semaphore_mem>>)
    %dma_start3A_14 = arith.constant 1 : i32
    %dma_start3A_15 = arith.constant 1 : i32
    %dma_start3A_16 = arith.constant 0 : i32
    %dma_start3A_17 = arith.constant 0 : i32
    %dma_start3A_18 = tpu.memref_slice %arg6[%dma_start3A_15, %dma_start3A_16, %dma_start3A_17] : memref<2x80x512xf32, #tpu.memory_space<vmem>> -> memref<1x80x512xf32, #tpu.memory_space<vmem>>
    %dma_start3A_19 = tpu.memref_squeeze %dma_start3A_18 : memref<1x80x512xf32, #tpu.memory_space<vmem>> -> memref<80x512xf32, #tpu.memory_space<vmem>>
    %dma_start3A_20 = arith.constant 0 : i32
    %dma_start3A_21 = tpu.memref_slice %arg5[%dma_start3A_14, %dma_start3A_20] : memref<128x80xi32, #tpu.memory_space<vmem>> -> memref<1x80xi32, #tpu.memory_space<vmem>>
    %dma_start3A_22 = tpu.memref_squeeze %dma_start3A_21 : memref<1x80xi32, #tpu.memory_space<vmem>> -> memref<80xi32, #tpu.memory_space<vmem>>
    %dma_start3A_23 = arith.constant 0 : i32
    %dma_start3A_24 = arith.constant 0 : i32
    %dma_start3A_25 = tpu.memref_slice %arg2[%dma_start3A_23, %dma_start3A_24] : memref<49408x512xf32, #tpu.memory_space<hbm>> -> memref<49408x512xf32, #tpu.memory_space<hbm>>
    tpu.enqueue_indirect_dma source(%dma_start3A_25 : memref<49408x512xf32, #tpu.memory_space<hbm>>) target(%dma_start3A_19 : memref<80x512xf32, #tpu.memory_space<vmem>>) offsets(%dma_start3A_22 : memref<80xi32, #tpu.memory_space<vmem>>) semaphore(%arg8 : memref<!tpu.dma_semaphore, #tpu.memory_space<semaphore_mem>>)
    %scan3A = arith.constant 0 : i32
    %scan3A_26 = arith.constant 0 : i32
    %scan3A_27 = arith.constant 64 : i32
    %scan3A_28 = arith.addi %scan3A_26, %scan3A_27 : i32
    %scan3A_29 = arith.constant 1 : i32
    scf.for %scan3A_68 = %scan3A_26 to %scan3A_28 step %scan3A_29  : i32 {
      %mul3A_69 = arith.constant 2 : i32
      %mul3A_70 = arith.muli %scan3A_68, %mul3A_69 : i32
      %add3A_71 = arith.constant 0 : i32
      %add3A_72 = arith.addi %mul3A_70, %add3A_71 : i32
      %dma_wait3A_73 = arith.constant 0 : i32
      %dma_wait3A_74 = arith.constant 0 : i32
      %dma_wait3A_75 = arith.constant 0 : i32
      %dma_wait3A_76 = tpu.memref_slice %arg6[%dma_wait3A_73, %dma_wait3A_74, %dma_wait3A_75] : memref<2x80x512xf32, #tpu.memory_space<vmem>> -> memref<1x80x512xf32, #tpu.memory_space<vmem>>
      %dma_wait3A_77 = tpu.memref_squeeze %dma_wait3A_76 : memref<1x80x512xf32, #tpu.memory_space<vmem>> -> memref<80x512xf32, #tpu.memory_space<vmem>>
      %dma_wait3A_78 = arith.constant 0 : i32
      %dma_wait3A_79 = tpu.memref_slice %arg5[%add3A_72, %dma_wait3A_78] : memref<128x80xi32, #tpu.memory_space<vmem>> -> memref<1x80xi32, #tpu.memory_space<vmem>>
      %dma_wait3A_80 = tpu.memref_squeeze %dma_wait3A_79 : memref<1x80xi32, #tpu.memory_space<vmem>> -> memref<80xi32, #tpu.memory_space<vmem>>
      %dma_wait3A_81 = arith.constant 0 : i32
      %dma_wait3A_82 = arith.constant 0 : i32
      %dma_wait3A_83 = tpu.memref_slice %arg2[%dma_wait3A_81, %dma_wait3A_82] : memref<49408x512xf32, #tpu.memory_space<hbm>> -> memref<49408x512xf32, #tpu.memory_space<hbm>>
      tpu.wait_indirect_dma semaphore(%arg7 : memref<!tpu.dma_semaphore, #tpu.memory_space<semaphore_mem>>) src(%dma_wait3A_83 : memref<49408x512xf32, #tpu.memory_space<hbm>>) dst(%dma_wait3A_77 : memref<80x512xf32, #tpu.memory_space<vmem>>)
      %add3A_84 = arith.addi %mul3A_2, %add3A_72 : i32
      %dma_start3A_85 = arith.constant 0 : i32
      %dma_start3A_86 = arith.constant 0 : i32
      %dma_start3A_87 = arith.constant 0 : i32
      %dma_start3A_88 = tpu.memref_slice %arg6[%dma_start3A_85, %dma_start3A_86, %dma_start3A_87] : memref<2x80x512xf32, #tpu.memory_space<vmem>> -> memref<1x80x512xf32, #tpu.memory_space<vmem>>
      %dma_start3A_89 = tpu.memref_squeeze %dma_start3A_88 : memref<1x80x512xf32, #tpu.memory_space<vmem>> -> memref<80x512xf32, #tpu.memory_space<vmem>>
      %dma_start3A_90 = arith.constant 0 : i32
      %dma_start3A_91 = arith.constant 0 : i32
      %dma_start3A_92 = tpu.memref_slice %arg4[%add3A_84, %dma_start3A_90, %dma_start3A_91] : memref<4096x77x512xf32, #tpu.memory_space<hbm>> -> memref<1x80x512xf32, #tpu.memory_space<hbm>>
      %dma_start3A_93 = tpu.memref_squeeze %dma_start3A_92 : memref<1x80x512xf32, #tpu.memory_space<hbm>> -> memref<80x512xf32, #tpu.memory_space<hbm>>
      %dma_start3A_94 = arith.constant 0 : i32
      %dma_start3A_95 = arith.constant 0 : i32
      %dma_start3A_96 = tpu.memref_slice %arg4[%add3A_84, %dma_start3A_94, %dma_start3A_95] : memref<4096x77x512xf32, #tpu.memory_space<hbm>> -> memref<1x80x512xf32, #tpu.memory_space<hbm>>
      %dma_start3A_97 = tpu.memref_squeeze %dma_start3A_96 : memref<1x80x512xf32, #tpu.memory_space<hbm>> -> memref<80x512xf32, #tpu.memory_space<hbm>>
      %dma_start3A_98 = arith.constant 0 : i32
      %dma_start3A_99 = arith.constant 0 : i32
      %dma_start3A_100 = tpu.memref_slice %arg6[%dma_start3A_85, %dma_start3A_98, %dma_start3A_99] : memref<2x80x512xf32, #tpu.memory_space<vmem>> -> memref<1x80x512xf32, #tpu.memory_space<vmem>>
      %dma_start3A_101 = tpu.memref_squeeze %dma_start3A_100 : memref<1x80x512xf32, #tpu.memory_space<vmem>> -> memref<80x512xf32, #tpu.memory_space<vmem>>
      tpu.enqueue_dma source(%dma_start3A_101 : memref<80x512xf32, #tpu.memory_space<vmem>>) target(%dma_start3A_97 : memref<80x512xf32, #tpu.memory_space<hbm>>) target_semaphore(%arg9 : memref<!tpu.dma_semaphore, #tpu.memory_space<semaphore_mem>>)
      %lt3A = arith.constant 63 : i32
      %lt3A_102 = arith.cmpi slt, %scan3A_68, %lt3A : i32
      %convert_element_type3A = arith.extui %lt3A_102 : i1 to i32
      %cond3A = arith.constant 0 : i32
      %cond3A_103 = arith.cmpi ne, %convert_element_type3A, %cond3A : i32
      scf.if %cond3A_103 {
        %add3A_142 = arith.addi %mul3A_2, %add3A_72 : i32
        %dma_wait3A_143 = arith.constant 0 : i32
        %dma_wait3A_144 = arith.constant 0 : i32
        %dma_wait3A_145 = arith.constant 0 : i32
        %dma_wait3A_146 = tpu.memref_slice %arg6[%dma_wait3A_143, %dma_wait3A_144, %dma_wait3A_145] : memref<2x80x512xf32, #tpu.memory_space<vmem>> -> memref<1x80x512xf32, #tpu.memory_space<vmem>>
        %dma_wait3A_147 = tpu.memref_squeeze %dma_wait3A_146 : memref<1x80x512xf32, #tpu.memory_space<vmem>> -> memref<80x512xf32, #tpu.memory_space<vmem>>
        %dma_wait3A_148 = arith.constant 0 : i32
        %dma_wait3A_149 = arith.constant 0 : i32
        %dma_wait3A_150 = tpu.memref_slice %arg4[%add3A_142, %dma_wait3A_148, %dma_wait3A_149] : memref<4096x77x512xf32, #tpu.memory_space<hbm>> -> memref<1x80x512xf32, #tpu.memory_space<hbm>>
        %dma_wait3A_151 = tpu.memref_squeeze %dma_wait3A_150 : memref<1x80x512xf32, #tpu.memory_space<hbm>> -> memref<80x512xf32, #tpu.memory_space<hbm>>
        %dma_wait3A_152 = arith.constant 0 : i32
        %dma_wait3A_153 = arith.constant 0 : i32
        %dma_wait3A_154 = tpu.memref_slice %arg4[%add3A_142, %dma_wait3A_152, %dma_wait3A_153] : memref<4096x77x512xf32, #tpu.memory_space<hbm>> -> memref<1x80x512xf32, #tpu.memory_space<hbm>>
        %dma_wait3A_155 = tpu.memref_squeeze %dma_wait3A_154 : memref<1x80x512xf32, #tpu.memory_space<hbm>> -> memref<80x512xf32, #tpu.memory_space<hbm>>
        %dma_wait3A_156 = arith.constant 0 : i32
        %dma_wait3A_157 = arith.constant 0 : i32
        %dma_wait3A_158 = tpu.memref_slice %arg6[%dma_wait3A_143, %dma_wait3A_156, %dma_wait3A_157] : memref<2x80x512xf32, #tpu.memory_space<vmem>> -> memref<1x80x512xf32, #tpu.memory_space<vmem>>
        %dma_wait3A_159 = tpu.memref_squeeze %dma_wait3A_158 : memref<1x80x512xf32, #tpu.memory_space<vmem>> -> memref<80x512xf32, #tpu.memory_space<vmem>>
        tpu.wait_dma2 semaphore(%arg9 : memref<!tpu.dma_semaphore, #tpu.memory_space<semaphore_mem>>) src(%dma_wait3A_159 : memref<80x512xf32, #tpu.memory_space<vmem>>) dst(%dma_wait3A_155 : memref<80x512xf32, #tpu.memory_space<hbm>>)
        %add3A_160 = arith.constant 2 : i32
        %add3A_161 = arith.addi %add3A_72, %add3A_160 : i32
        %dma_start3A_162 = arith.constant 0 : i32
        %dma_start3A_163 = arith.constant 0 : i32
        %dma_start3A_164 = arith.constant 0 : i32
        %dma_start3A_165 = tpu.memref_slice %arg6[%dma_start3A_162, %dma_start3A_163, %dma_start3A_164] : memref<2x80x512xf32, #tpu.memory_space<vmem>> -> memref<1x80x512xf32, #tpu.memory_space<vmem>>
        %dma_start3A_166 = tpu.memref_squeeze %dma_start3A_165 : memref<1x80x512xf32, #tpu.memory_space<vmem>> -> memref<80x512xf32, #tpu.memory_space<vmem>>
        %dma_start3A_167 = arith.constant 0 : i32
        %dma_start3A_168 = tpu.memref_slice %arg5[%add3A_161, %dma_start3A_167] : memref<128x80xi32, #tpu.memory_space<vmem>> -> memref<1x80xi32, #tpu.memory_space<vmem>>
        %dma_start3A_169 = tpu.memref_squeeze %dma_start3A_168 : memref<1x80xi32, #tpu.memory_space<vmem>> -> memref<80xi32, #tpu.memory_space<vmem>>
        %dma_start3A_170 = arith.constant 0 : i32
        %dma_start3A_171 = arith.constant 0 : i32
        %dma_start3A_172 = tpu.memref_slice %arg2[%dma_start3A_170, %dma_start3A_171] : memref<49408x512xf32, #tpu.memory_space<hbm>> -> memref<49408x512xf32, #tpu.memory_space<hbm>>
        tpu.enqueue_indirect_dma source(%dma_start3A_172 : memref<49408x512xf32, #tpu.memory_space<hbm>>) target(%dma_start3A_166 : memref<80x512xf32, #tpu.memory_space<vmem>>) offsets(%dma_start3A_169 : memref<80xi32, #tpu.memory_space<vmem>>) semaphore(%arg7 : memref<!tpu.dma_semaphore, #tpu.memory_space<semaphore_mem>>)
      } else {
      }
      %mul3A_104 = arith.constant 2 : i32
      %mul3A_105 = arith.muli %scan3A_68, %mul3A_104 : i32
      %add3A_106 = arith.constant 1 : i32
      %add3A_107 = arith.addi %mul3A_105, %add3A_106 : i32
      %dma_wait3A_108 = arith.constant 1 : i32
      %dma_wait3A_109 = arith.constant 0 : i32
      %dma_wait3A_110 = arith.constant 0 : i32
      %dma_wait3A_111 = tpu.memref_slice %arg6[%dma_wait3A_108, %dma_wait3A_109, %dma_wait3A_110] : memref<2x80x512xf32, #tpu.memory_space<vmem>> -> memref<1x80x512xf32, #tpu.memory_space<vmem>>
      %dma_wait3A_112 = tpu.memref_squeeze %dma_wait3A_111 : memref<1x80x512xf32, #tpu.memory_space<vmem>> -> memref<80x512xf32, #tpu.memory_space<vmem>>
      %dma_wait3A_113 = arith.constant 0 : i32
      %dma_wait3A_114 = tpu.memref_slice %arg5[%add3A_107, %dma_wait3A_113] : memref<128x80xi32, #tpu.memory_space<vmem>> -> memref<1x80xi32, #tpu.memory_space<vmem>>
      %dma_wait3A_115 = tpu.memref_squeeze %dma_wait3A_114 : memref<1x80xi32, #tpu.memory_space<vmem>> -> memref<80xi32, #tpu.memory_space<vmem>>
      %dma_wait3A_116 = arith.constant 0 : i32
      %dma_wait3A_117 = arith.constant 0 : i32
      %dma_wait3A_118 = tpu.memref_slice %arg2[%dma_wait3A_116, %dma_wait3A_117] : memref<49408x512xf32, #tpu.memory_space<hbm>> -> memref<49408x512xf32, #tpu.memory_space<hbm>>
      tpu.wait_indirect_dma semaphore(%arg8 : memref<!tpu.dma_semaphore, #tpu.memory_space<semaphore_mem>>) src(%dma_wait3A_118 : memref<49408x512xf32, #tpu.memory_space<hbm>>) dst(%dma_wait3A_112 : memref<80x512xf32, #tpu.memory_space<vmem>>)
      %add3A_119 = arith.addi %mul3A_2, %add3A_107 : i32
      %dma_start3A_120 = arith.constant 1 : i32
      %dma_start3A_121 = arith.constant 0 : i32
      %dma_start3A_122 = arith.constant 0 : i32
      %dma_start3A_123 = tpu.memref_slice %arg6[%dma_start3A_120, %dma_start3A_121, %dma_start3A_122] : memref<2x80x512xf32, #tpu.memory_space<vmem>> -> memref<1x80x512xf32, #tpu.memory_space<vmem>>
      %dma_start3A_124 = tpu.memref_squeeze %dma_start3A_123 : memref<1x80x512xf32, #tpu.memory_space<vmem>> -> memref<80x512xf32, #tpu.memory_space<vmem>>
      %dma_start3A_125 = arith.constant 0 : i32
      %dma_start3A_126 = arith.constant 0 : i32
      %dma_start3A_127 = tpu.memref_slice %arg4[%add3A_119, %dma_start3A_125, %dma_start3A_126] : memref<4096x77x512xf32, #tpu.memory_space<hbm>> -> memref<1x80x512xf32, #tpu.memory_space<hbm>>
      %dma_start3A_128 = tpu.memref_squeeze %dma_start3A_127 : memref<1x80x512xf32, #tpu.memory_space<hbm>> -> memref<80x512xf32, #tpu.memory_space<hbm>>
      %dma_start3A_129 = arith.constant 0 : i32
      %dma_start3A_130 = arith.constant 0 : i32
      %dma_start3A_131 = tpu.memref_slice %arg4[%add3A_119, %dma_start3A_129, %dma_start3A_130] : memref<4096x77x512xf32, #tpu.memory_space<hbm>> -> memref<1x80x512xf32, #tpu.memory_space<hbm>>
      %dma_start3A_132 = tpu.memref_squeeze %dma_start3A_131 : memref<1x80x512xf32, #tpu.memory_space<hbm>> -> memref<80x512xf32, #tpu.memory_space<hbm>>
      %dma_start3A_133 = arith.constant 0 : i32
      %dma_start3A_134 = arith.constant 0 : i32
      %dma_start3A_135 = tpu.memref_slice %arg6[%dma_start3A_120, %dma_start3A_133, %dma_start3A_134] : memref<2x80x512xf32, #tpu.memory_space<vmem>> -> memref<1x80x512xf32, #tpu.memory_space<vmem>>
      %dma_start3A_136 = tpu.memref_squeeze %dma_start3A_135 : memref<1x80x512xf32, #tpu.memory_space<vmem>> -> memref<80x512xf32, #tpu.memory_space<vmem>>
      tpu.enqueue_dma source(%dma_start3A_136 : memref<80x512xf32, #tpu.memory_space<vmem>>) target(%dma_start3A_132 : memref<80x512xf32, #tpu.memory_space<hbm>>) target_semaphore(%arg10 : memref<!tpu.dma_semaphore, #tpu.memory_space<semaphore_mem>>)
      %lt3A_137 = arith.constant 63 : i32
      %lt3A_138 = arith.cmpi slt, %scan3A_68, %lt3A_137 : i32
      %convert_element_type3A_139 = arith.extui %lt3A_138 : i1 to i32
      %cond3A_140 = arith.constant 0 : i32
      %cond3A_141 = arith.cmpi ne, %convert_element_type3A_139, %cond3A_140 : i32
      scf.if %cond3A_141 {
        %add3A_142 = arith.addi %mul3A_2, %add3A_107 : i32
        %dma_wait3A_143 = arith.constant 1 : i32
        %dma_wait3A_144 = arith.constant 0 : i32
        %dma_wait3A_145 = arith.constant 0 : i32
        %dma_wait3A_146 = tpu.memref_slice %arg6[%dma_wait3A_143, %dma_wait3A_144, %dma_wait3A_145] : memref<2x80x512xf32, #tpu.memory_space<vmem>> -> memref<1x80x512xf32, #tpu.memory_space<vmem>>
        %dma_wait3A_147 = tpu.memref_squeeze %dma_wait3A_146 : memref<1x80x512xf32, #tpu.memory_space<vmem>> -> memref<80x512xf32, #tpu.memory_space<vmem>>
        %dma_wait3A_148 = arith.constant 0 : i32
        %dma_wait3A_149 = arith.constant 0 : i32
        %dma_wait3A_150 = tpu.memref_slice %arg4[%add3A_142, %dma_wait3A_148, %dma_wait3A_149] : memref<4096x77x512xf32, #tpu.memory_space<hbm>> -> memref<1x80x512xf32, #tpu.memory_space<hbm>>
        %dma_wait3A_151 = tpu.memref_squeeze %dma_wait3A_150 : memref<1x80x512xf32, #tpu.memory_space<hbm>> -> memref<80x512xf32, #tpu.memory_space<hbm>>
        %dma_wait3A_152 = arith.constant 0 : i32
        %dma_wait3A_153 = arith.constant 0 : i32
        %dma_wait3A_154 = tpu.memref_slice %arg4[%add3A_142, %dma_wait3A_152, %dma_wait3A_153] : memref<4096x77x512xf32, #tpu.memory_space<hbm>> -> memref<1x80x512xf32, #tpu.memory_space<hbm>>
        %dma_wait3A_155 = tpu.memref_squeeze %dma_wait3A_154 : memref<1x80x512xf32, #tpu.memory_space<hbm>> -> memref<80x512xf32, #tpu.memory_space<hbm>>
        %dma_wait3A_156 = arith.constant 0 : i32
        %dma_wait3A_157 = arith.constant 0 : i32
        %dma_wait3A_158 = tpu.memref_slice %arg6[%dma_wait3A_143, %dma_wait3A_156, %dma_wait3A_157] : memref<2x80x512xf32, #tpu.memory_space<vmem>> -> memref<1x80x512xf32, #tpu.memory_space<vmem>>
        %dma_wait3A_159 = tpu.memref_squeeze %dma_wait3A_158 : memref<1x80x512xf32, #tpu.memory_space<vmem>> -> memref<80x512xf32, #tpu.memory_space<vmem>>
        tpu.wait_dma2 semaphore(%arg10 : memref<!tpu.dma_semaphore, #tpu.memory_space<semaphore_mem>>) src(%dma_wait3A_159 : memref<80x512xf32, #tpu.memory_space<vmem>>) dst(%dma_wait3A_155 : memref<80x512xf32, #tpu.memory_space<hbm>>)
        %add3A_160 = arith.constant 2 : i32
        %add3A_161 = arith.addi %add3A_107, %add3A_160 : i32
        %dma_start3A_162 = arith.constant 1 : i32
        %dma_start3A_163 = arith.constant 0 : i32
        %dma_start3A_164 = arith.constant 0 : i32
        %dma_start3A_165 = tpu.memref_slice %arg6[%dma_start3A_162, %dma_start3A_163, %dma_start3A_164] : memref<2x80x512xf32, #tpu.memory_space<vmem>> -> memref<1x80x512xf32, #tpu.memory_space<vmem>>
        %dma_start3A_166 = tpu.memref_squeeze %dma_start3A_165 : memref<1x80x512xf32, #tpu.memory_space<vmem>> -> memref<80x512xf32, #tpu.memory_space<vmem>>
        %dma_start3A_167 = arith.constant 0 : i32
        %dma_start3A_168 = tpu.memref_slice %arg5[%add3A_161, %dma_start3A_167] : memref<128x80xi32, #tpu.memory_space<vmem>> -> memref<1x80xi32, #tpu.memory_space<vmem>>
        %dma_start3A_169 = tpu.memref_squeeze %dma_start3A_168 : memref<1x80xi32, #tpu.memory_space<vmem>> -> memref<80xi32, #tpu.memory_space<vmem>>
        %dma_start3A_170 = arith.constant 0 : i32
        %dma_start3A_171 = arith.constant 0 : i32
        %dma_start3A_172 = tpu.memref_slice %arg2[%dma_start3A_170, %dma_start3A_171] : memref<49408x512xf32, #tpu.memory_space<hbm>> -> memref<49408x512xf32, #tpu.memory_space<hbm>>
        tpu.enqueue_indirect_dma source(%dma_start3A_172 : memref<49408x512xf32, #tpu.memory_space<hbm>>) target(%dma_start3A_166 : memref<80x512xf32, #tpu.memory_space<vmem>>) offsets(%dma_start3A_169 : memref<80xi32, #tpu.memory_space<vmem>>) semaphore(%arg8 : memref<!tpu.dma_semaphore, #tpu.memory_space<semaphore_mem>>)
      } else {
      }
    }
    %scan3A_30 = arith.constant 64 : i32
    %add3A_31 = arith.constant 126 : i32
    %add3A_32 = arith.addi %mul3A_2, %add3A_31 : i32
    %dma_wait3A = arith.constant 0 : i32
    %dma_wait3A_33 = arith.constant 0 : i32
    %dma_wait3A_34 = arith.constant 0 : i32
    %dma_wait3A_35 = tpu.memref_slice %arg6[%dma_wait3A, %dma_wait3A_33, %dma_wait3A_34] : memref<2x80x512xf32, #tpu.memory_space<vmem>> -> memref<1x80x512xf32, #tpu.memory_space<vmem>>
    %dma_wait3A_36 = tpu.memref_squeeze %dma_wait3A_35 : memref<1x80x512xf32, #tpu.memory_space<vmem>> -> memref<80x512xf32, #tpu.memory_space<vmem>>
    %dma_wait3A_37 = arith.constant 0 : i32
    %dma_wait3A_38 = arith.constant 0 : i32
    %dma_wait3A_39 = tpu.memref_slice %arg4[%add3A_32, %dma_wait3A_37, %dma_wait3A_38] : memref<4096x77x512xf32, #tpu.memory_space<hbm>> -> memref<1x80x512xf32, #tpu.memory_space<hbm>>
    %dma_wait3A_40 = tpu.memref_squeeze %dma_wait3A_39 : memref<1x80x512xf32, #tpu.memory_space<hbm>> -> memref<80x512xf32, #tpu.memory_space<hbm>>
    %dma_wait3A_41 = arith.constant 0 : i32
    %dma_wait3A_42 = arith.constant 0 : i32
    %dma_wait3A_43 = tpu.memref_slice %arg4[%add3A_32, %dma_wait3A_41, %dma_wait3A_42] : memref<4096x77x512xf32, #tpu.memory_space<hbm>> -> memref<1x80x512xf32, #tpu.memory_space<hbm>>
    %dma_wait3A_44 = tpu.memref_squeeze %dma_wait3A_43 : memref<1x80x512xf32, #tpu.memory_space<hbm>> -> memref<80x512xf32, #tpu.memory_space<hbm>>
    %dma_wait3A_45 = arith.constant 0 : i32
    %dma_wait3A_46 = arith.constant 0 : i32
    %dma_wait3A_47 = tpu.memref_slice %arg6[%dma_wait3A, %dma_wait3A_45, %dma_wait3A_46] : memref<2x80x512xf32, #tpu.memory_space<vmem>> -> memref<1x80x512xf32, #tpu.memory_space<vmem>>
    %dma_wait3A_48 = tpu.memref_squeeze %dma_wait3A_47 : memref<1x80x512xf32, #tpu.memory_space<vmem>> -> memref<80x512xf32, #tpu.memory_space<vmem>>
    tpu.wait_dma2 semaphore(%arg9 : memref<!tpu.dma_semaphore, #tpu.memory_space<semaphore_mem>>) src(%dma_wait3A_48 : memref<80x512xf32, #tpu.memory_space<vmem>>) dst(%dma_wait3A_44 : memref<80x512xf32, #tpu.memory_space<hbm>>)
    %add3A_49 = arith.constant 127 : i32
    %add3A_50 = arith.addi %mul3A_2, %add3A_49 : i32
    %dma_wait3A_51 = arith.constant 1 : i32
    %dma_wait3A_52 = arith.constant 0 : i32
    %dma_wait3A_53 = arith.constant 0 : i32
    %dma_wait3A_54 = tpu.memref_slice %arg6[%dma_wait3A_51, %dma_wait3A_52, %dma_wait3A_53] : memref<2x80x512xf32, #tpu.memory_space<vmem>> -> memref<1x80x512xf32, #tpu.memory_space<vmem>>
    %dma_wait3A_55 = tpu.memref_squeeze %dma_wait3A_54 : memref<1x80x512xf32, #tpu.memory_space<vmem>> -> memref<80x512xf32, #tpu.memory_space<vmem>>
    %dma_wait3A_56 = arith.constant 0 : i32
    %dma_wait3A_57 = arith.constant 0 : i32
    %dma_wait3A_58 = tpu.memref_slice %arg4[%add3A_50, %dma_wait3A_56, %dma_wait3A_57] : memref<4096x77x512xf32, #tpu.memory_space<hbm>> -> memref<1x80x512xf32, #tpu.memory_space<hbm>>
    %dma_wait3A_59 = tpu.memref_squeeze %dma_wait3A_58 : memref<1x80x512xf32, #tpu.memory_space<hbm>> -> memref<80x512xf32, #tpu.memory_space<hbm>>
    %dma_wait3A_60 = arith.constant 0 : i32
    %dma_wait3A_61 = arith.constant 0 : i32
    %dma_wait3A_62 = tpu.memref_slice %arg4[%add3A_50, %dma_wait3A_60, %dma_wait3A_61] : memref<4096x77x512xf32, #tpu.memory_space<hbm>> -> memref<1x80x512xf32, #tpu.memory_space<hbm>>
    %dma_wait3A_63 = tpu.memref_squeeze %dma_wait3A_62 : memref<1x80x512xf32, #tpu.memory_space<hbm>> -> memref<80x512xf32, #tpu.memory_space<hbm>>
    %dma_wait3A_64 = arith.constant 0 : i32
    %dma_wait3A_65 = arith.constant 0 : i32
    %dma_wait3A_66 = tpu.memref_slice %arg6[%dma_wait3A_51, %dma_wait3A_64, %dma_wait3A_65] : memref<2x80x512xf32, #tpu.memory_space<vmem>> -> memref<1x80x512xf32, #tpu.memory_space<vmem>>
    %dma_wait3A_67 = tpu.memref_squeeze %dma_wait3A_66 : memref<1x80x512xf32, #tpu.memory_space<vmem>> -> memref<80x512xf32, #tpu.memory_space<vmem>>
    tpu.wait_dma2 semaphore(%arg10 : memref<!tpu.dma_semaphore, #tpu.memory_space<semaphore_mem>>) src(%dma_wait3A_67 : memref<80x512xf32, #tpu.memory_space<vmem>>) dst(%dma_wait3A_63 : memref<80x512xf32, #tpu.memory_space<hbm>>)
    return
  }
}

</mosaic_0001>

<sc_bundles>
// kernel: kernel.3.cloned.1.call-start
scs
__scs_entry_jumppad:
0x0: {  	(pc) =	sbr.rel $0x88, $3  }
0x1: {  	(tag) =	ssettag $0x0;
	lr =	simm.s32 $0x1  }
0x2: {  	[smem:$0x3F9F] =	sst lr;
	_ =	strace $0xD0000000  }
0x3: {  	_ = 	snop  }
0x4: {  	_ = 	snop  }
0x5: {  	_ = 	snop  }
0x6: {  	_ = 	snop  }
0x7: {  	_ = 	snop  }
__scs_overlays_trampoline_lowered:
0x8: {  	[smem:$0x3FAE] =	sst s0  }
0x9: {  	[smem:$0x3FAF] =	sst s1  }
0xa: {  	[smem:$0x3FB0] =	sst s2  }
0xb: {  	[smem:$0x3FB1] =	sst s3  }
0xc: {  	[smem:$0x3FB2] =	sst s4  }
0xd: {  	[smem:$0x3FB3] =	sst s5  }
0xe: {  	[smem:$0x3FB4] =	sst s6  }
0xf: {  	[smem:$0x3FB5] =	sst s7  }
0x10: {  	[smem:$0x3FB6] =	sst s8  }
0x11: {  	[smem:$0x3FB7] =	sst s9;
	s0 =	simm.s32 @!p0 $0x0  }
0x12: {  	s1 =	sld [smem:$0x3F9D];
	s0 =	simm.s32 @p0 $0x1  }
0x13: {  	[smem:$0x3FB8] =	sst s0;
	s0 =	simm.s32 @!p1 $0x0  }
0x14: {  	s2 =	sld [smem:$0x3F9C];
	s0 =	simm.s32 @p1 $0x1  }
0x15: {  	[smem:$0x3FB9] =	sst s0;
	s0 =	simm.s32 @!p2 $0x0  }
0x16: {  	s3 =	sld [smem:$0x3FDB];
	s0 =	simm.s32 @p2 $0x1  }
0x17: {  	s4 =	simm.s32 $0x1BF5;
	[smem:$0x3FBB] =	sst s0  }
0x18: {  	s0 =	sld [smem:$0x3F9E];
	_ =	swait.ge [sflag:s4], $0x0  }
0x19: {  	s7 =	sld [smem:$0x3F9F]  }
0x1a: {  	s8 =	sadd.s32 $0xFFFFE003, lr  }
0x1b: {  	s9 =	sadd.s32 $0xFFFFFEF7, lr;
	s5 =	simm.s32 $0xFFFFFFFF;
	p2 =	slt.u32 s8, $0xFFFFF086  }
0x1c: {  	p1 =	slt.u32 s9, $0xF7A;
	s5 =	simm.s32 @!p2 $0x0  }
0x1d: {  	s5 =	simm.s32 @p1 $0x1;
	p0 =	seq.s32 s7, s2  }
0x1e: {  	s7 =	smul.u32 @!p0 $0xF7A, s2;
	p2 =	seq.s32 @!p0 s5, $0x0  }
0x1f: {  	s9 =	smul.u32 $0xF7A, s1;
	s8 =	simm.s32 @!p0 $0x1BF5;
	p2 =	por !p2, p0  }
0x20: {  	[sflag:s8] =	ssyncset.s32 @!p0 $0xFFFFF086;
	s6 =	sadd.s32 @!p0 s3, s7;
	s7 =	simm.s32 @!p0 $0x108  }
0x21: {  	s3 =	sadd.s32 s3, s9;
	s6 =	sadd.s32 @!p0 $0x88, s6;
	s7 =	simm.s32 @p2 $0x1082  }
0x22: {  	[simem:s7], [sflag:s8] =	dma.local @!p0 [hbm:s6], $0xF7A  }
0x23: {  	s9 =	sor.u32 $0xD0000000, s2;
	s6 =	simm.s32 $0x108;
	_ =	swait.ge @!p0 [sflag:s8], $0x0  }
0x24: {  	s3 =	sadd.s32 $0x88, s3;
	s6 =	simm.s32 @!p1 $0x1082;
	[sflag:s4] =	ssyncset.s32 $0xFFFFF086  }
0x25: {  	[simem:s6], [sflag:s4] =	dma.local [hbm:s3], $0xF7A  }
0x26: {  	[smem:$0x3F9F] =	sst s1;
	(tag) =	ssettag s2;
	_ =	strace s9  }
0x27: {  	s1 =	sld [smem:$0x3FAF]  }
0x28: {  	s2 =	sld [smem:$0x3FB0]  }
0x29: {  	s4 =	sld [smem:$0x3FB2]  }
0x2a: {  	p0 =	seq.s32 s5, $0x0;
	s5 =	sld [smem:$0x3FB3]  }
0x2b: {  	s6 =	sld [smem:$0x3FB4]  }
0x2c: {  	s7 =	sld [smem:$0x3FB5]  }
0x2d: {  	s3 =	simm.s32 $0x108;
	s8 =	sld [smem:$0x3FB6]  }
0x2e: {  	s3 =	simm.s32 @!p0 $0x1082;
	s9 =	sld [smem:$0x3FB7]  }
0x2f: {  	lr =	sadd.s32 s0, s3;
	s0 =	sld [smem:$0x3FAE]  }
0x30: {  	s3 =	sld [smem:$0x3FB1]  }
0x31: {  	[smem:$0x3FBA] =	sst s10  }
0x32: {  	s10 =	sld [smem:$0x3FB8];
	_ =	sdelay $0x3  }
0x33: {  	p0 =	seq.s32 s10, $0x1;
	s10 =	sld [smem:$0x3FBA];
	_ =	sdelay $0x3  }
0x34: {  	[smem:$0x3FBA] =	sst s10  }
0x35: {  	s10 =	sld [smem:$0x3FB9];
	_ =	sdelay $0x3  }
0x36: {  	p1 =	seq.s32 s10, $0x1;
	s10 =	sld [smem:$0x3FBA];
	_ =	sdelay $0x3  }
0x37: {  	[smem:$0x3FBA] =	sst s10  }
0x38: {  	s10 =	sld [smem:$0x3FBB]  }
0x39: {  	_ = 	snop;
	(pc) =	sbr.ind lr, $3  }
0x3a: {  	_ = 	snop  }
0x3b: {  	_ = 	snop  }
0x3c: {  	p2 =	seq.s32 s10, $0x1;
	s10 =	sld [smem:$0x3FBA]  }
0x3d: {  	_ =	shalt  }
0x3e: {  	_ =	shalt  }
0x3f: {  	_ =	shalt  }
0x40: {  	_ =	shalt  }
0x41: {  	_ =	shalt  }
0x42: {  	_ =	shalt  }
0x43: {  	_ =	shalt  }
0x44: {  	_ =	shalt  }
0x45: {  	_ =	shalt  }
0x46: {  	_ =	shalt  }
0x47: {  	_ =	shalt  }
0x48: {  	_ =	shalt  }
0x49: {  	_ =	shalt  }
0x4a: {  	_ =	shalt  }
0x4b: {  	_ =	shalt  }
0x4c: {  	_ =	shalt  }
0x4d: {  	_ =	shalt  }
0x4e: {  	_ =	shalt  }
0x4f: {  	_ =	shalt  }
0x50: {  	_ =	shalt  }
0x51: {  	_ =	shalt  }
0x52: {  	_ =	shalt  }
0x53: {  	_ =	shalt  }
0x54: {  	_ =	shalt  }
0x55: {  	_ =	shalt  }
0x56: {  	_ =	shalt  }
0x57: {  	_ =	shalt  }
0x58: {  	_ =	shalt  }
0x59: {  	_ =	shalt  }
0x5a: {  	_ =	shalt  }
0x5b: {  	_ =	shalt  }
0x5c: {  	_ =	shalt  }
0x5d: {  	_ =	shalt  }
0x5e: {  	_ =	shalt  }
0x5f: {  	_ =	shalt  }
0x60: {  	_ =	shalt  }
0x61: {  	_ =	shalt  }
0x62: {  	_ =	shalt  }
0x63: {  	_ =	shalt  }
0x64: {  	_ =	shalt  }
0x65: {  	_ =	shalt  }
0x66: {  	_ =	shalt  }
0x67: {  	_ =	shalt  }
0x68: {  	_ =	shalt  }
0x69: {  	_ =	shalt  }
0x6a: {  	_ =	shalt  }
0x6b: {  	_ =	shalt  }
0x6c: {  	_ =	shalt  }
0x6d: {  	_ =	shalt  }
0x6e: {  	_ =	shalt  }
0x6f: {  	_ =	shalt  }
0x70: {  	_ =	shalt  }
0x71: {  	_ =	shalt  }
0x72: {  	_ =	shalt  }
0x73: {  	_ =	shalt  }
0x74: {  	_ =	shalt  }
0x75: {  	_ =	shalt  }
0x76: {  	_ =	shalt  }
0x77: {  	_ =	shalt  }
0x78: {  	_ =	shalt  }
0x79: {  	_ =	shalt  }
0x7a: {  	_ =	shalt  }
0x7b: {  	_ =	shalt  }
0x7c: {  	_ =	shalt  }
0x7d: {  	_ =	shalt  }
0x7e: {  	_ =	shalt  }
0x7f: {  	_ =	shalt  }
0x80: {  	_ =	shalt  }
0x81: {  	_ =	shalt  }
0x82: {  	_ =	shalt  }
0x83: {  	_ =	shalt  }
0x84: {  	_ =	shalt  }
0x85: {  	_ =	shalt  }
0x86: {  	_ =	shalt  }
0x87: {  	_ =	shalt  }
.Lfunc_end0:
.L_simem_size_0:
called_computation_lowered:
.L_overlay_start_0:
0x88: {  	s2 =	sld [smem:$0x3FD9]  }
0x89: {  	s3 =	sld [smem:$0x3FFE];
	_ =	sdelay $0x1  }
0x8a: {  	s1 =	srdreg.scid  }
0x8b: {  	s0 =	sand.u32 $0x1, s1  }
0x8c: {  	s14 =	sshll.u32 s0, $0xA;
	s2 =	sadd.s32 s3, s2  }
0x8d: {  	s2 =	sadd.s32 s2, s14  }
0x8e: {  	[smem:$0x3FC6] =	sst s2  }
0x8f: {  	_ = 	snop  }
0x90: {  	s2 =	sld [smem:$0x3FD0];
	_ =	sdelay $0x2  }
0x91: {  	s4 =	simm.s32 $0xA;
	s5 =	simm.s32 $0x10;
	s15 =	sld [smem:$0x3FC8]  }
0x92: {  	[smem:s5], [sflag:s4] =	dma.local [hbm:s2], $0x1  }
0x93: {  	_ =	swait.eq [sflag:s4], $0x1  }
0x94: {  	[sflag:s4] =	ssyncset.done $0x0  }
0x95: {  	[sflag:s4] =	ssyncadd.s32 $0xFFFFFFFF  }
0x96: {  	s16 =	sld [smem:$0x10];
	(tm) =	ssettm $0x1  }
0x97: {  	s17 =	sld [smem:$0x3FFB];
	_ =	sdelay $0x3  }
0x98: {  	_ =	strace s17  }
0x99: {  	s4 =	sld [smem:$0x3FFC];
	_ =	sdelay $0x3  }
0x9a: {  	_ =	strace s4  }
0x9b: {  	s4 =	sld [smem:$0x3FFD];
	_ =	sdelay $0x3  }
0x9c: {  	_ =	strace s4  }
0x9d: {  	_ =	strace $0x8FFFFFFF  }
0x9e: {  	s18 =	sld [smem:$0x3FDB];
	_ =	sdelay $0x1  }
0x9f: {  	s19 =	simm.s32 $_scs_section_size  }
0xa0: {  	s6 =	simm.s32 $_size__tile_overlayer_lowered;
	s7 =	simm.s32 $_tile_overlayer_lowered  }
0xa1: {  	s22 =	simm.s32 $0x1BFF;
	s21 =	sshll.u32 s7, $0x1;
	s4 =	sadd.s32 s19, s18  }
0xa2: {  	s8 =	simm.s32 $0x0;
	s20 =	sshll.u32 s6, $0x1;
	s6 =	sadd.s32 s21, s4  }
0xa3: {  	[timem:s8], [sflag:s22] =	dma.local [hbm:s6], s20  }
0xa4: {  	_ =	swait.ge [sflag:s22], s20  }
0xa5: {  	s5 =	ssub.s32 $0x0, s20;
	[sflag:s22] =	ssyncset.done $0x0  }
0xa6: {  	[sflag:s22] =	ssyncadd.s32 s5;
	_ =	sdelay $0x1  }
0xa7: {  	s23 =	simm.s32 $0x1B8B  }
0xa8: {  	_ =	swait.ge [sflag:s23], $0x1  }
0xa9: {  	[sflag:s23] =	ssyncset.done $0x0  }
0xaa: {  	s25 =	simm.s32 $0x1B8E;
	s24 =	sld [smem:$0x3FFE];
	[sflag:s23] =	ssyncadd.s32 $0xFFFFFFFF  }
0xab: {  	s26 =	simm.s32 $execute0_lowered;
	[smem:$0x3FD2] =	sst s25  }
0xac: {  	s6 =	sshll.u32 s26, $0x1;
	_ =	strace $0x80000046;
	[dreg:$0x1] =	wrdreg $0xFFFFFFFF  }
0xad: {  	s28 =	simm.s32 $_size_execute0_lowered;
	s4 =	sadd.s32 s4, s6;
	[dreg:$0x0] =	wrdreg $0x0  }
0xae: {  	s6 =	sshll.u32 s28, $0x1;
	[dreg:$0x2] =	wrdreg s4  }
0xaf: {  	[dreg:$0x3] =	wrdreg s6  }
0xb0: {  	[dreg:$0x4] =	wrdreg $0xC0  }
0xb1: {  	_ =	task [dreg:s8], $0x5FFFF  }
0xb2: {  	[dreg:$0x1] =	wrdreg $0xFFFFFFFF  }
0xb3: {  	[dreg:$0x0] =	wrdreg $0x60  }
0xb4: {  	[dreg:$0x2] =	wrdreg s15  }
0xb5: {  	[dreg:$0x3] =	wrdreg s16  }
0xb6: {  	[dreg:$0x4] =	wrdreg s24  }
0xb7: {  	[dreg:$0x5] =	wrdreg $0x9  }
0xb8: {  	_ =	task.clear_ibuf [dreg:s8], $0x6FFFF;
	_ =	strace $0x90000046  }
0xb9: {  	s29 =	simm.s32 $0x9;
	_ =	strace $0x80000048  }
0xba: {  	_ =	swait.ge [sflag:s29], $0x1  }
0xbb: {  	[sflag:s29] =	ssyncadd.s32 $0xFFFFFFFF  }
0xbc: {  	_ =	strace $0x90000048  }
0xbd: {  	_ =	sfence  }
0xbe: {  	s30 =	sld [smem:$0x0];
	_ =	sdelay $0x2  }
0xbf: {  	s31 =	sshll.u32 s1, $0xD;
	s1 =	sshrl.u32 s1, $0x2  }
0xc0: {  	s3 =	sand.u32 $0x4000, s31;
	s1 =	sadd.s32 s1, s30  }
0xc1: {  	s0 =	sor.u32 s3, s0;
	s1 =	sshll.u32 s1, $0x11  }
0xc2: {  	s0 =	sor.u32 s1, s0  }
0xc3: {  	s0 =	sadd.s32 $0x8F2B, s0  }
0xc4: {  	[sflag:s0] =	ssyncadd.remote.s32 $0x1  }
0xc5: {  	_ =	sfence.sel $0xFFFF  }
0xc6: {  	[dreg:$0x0] =	wrdreg $0xFFFFFFFF;
	(pc) =	sbr.abs _section_cstart, $3  }
0xc7: {  	[dreg:$0x1] =	wrdreg $0xFFFFFFFF  }
0xc8: {  	_ =	task.clear_ibuf [dreg:s8], $0x2FFFF;
	_ =	strace $0x9FFFFFFF  }
0xc9: {  	(tm) =	ssettm $0x7FFFFFFF  }
tec
execute0_lowered:
.L_overlay_start_1:
0x0: {  	(tag) =	ssettag $0x1  }
0x1: {  	s1 =	rddreg [dreg:$0x0]  }
0x2: {  	s0 =	rddreg [dreg:$0x1]  }
0x3: {  	s2 =	rddreg [dreg:$0x2];
	s4 =	srdreg.scid;
	s3 =	simm.s32 $0x0  }
0x4: {  	s8 =	stileid.u32;
	s30 =	simm.s32 $0xE000;
	s10 =	simm.s32 $0x11800  }
0x5: {  	s11 =	simm.s32 $0x12000;
	s12 =	simm.s32 $0x12800;
	s13 =	simm.s32 $0x13000  }
0x6: {  	s14 =	simm.s32 $0x13800;
	s15 =	simm.s32 $0x14000;
	s16 =	simm.s32 $0x14800  }
0x7: {  	s17 =	simm.s32 $0x15000;
	s18 =	simm.s32 $0x15800;
	s19 =	simm.s32 $0x16000  }
0x8: {  	s20 =	simm.s32 $0x16800;
	s21 =	simm.s32 $0x17000;
	s22 =	simm.s32 $0x17800  }
0x9: {  	s23 =	simm.s32 $0x1;
	s24 =	simm.s32 $0x2;
	s25 =	simm.s32 $0x3  }
0xa: {  	s4 =	sand.u32 $0x1, s4;
	[smem:$0x7FF] =	sst s3;
	s6 =	smul.u32 $0x140000, s8  }
0xb: {  	s8 =	sshll.u32 s8, $0xC;
	s5 =	ssub.s32 $0x2, s4;
	_ =	strace $0x80000047  }
0xc: {  	s9 =	sshll.u32 s4, $0xB;
	s4 =	smul.u32 $0xA0000, s4;
	s7 =	sshrl.u32 s5, $0x1  }
0xd: {  	s2 =	sadd.s32 s6, s2;
	s28 =	sor.u32 s9, s8;
	s9 =	simm.s32 $0x4000  }
.Ltmp0:
0xe: {  	s6 =	simm.s32 $0x10800;
	s8 =	simm.s32 $0x11000;
	(pc) =	sbr.rel .LBB2_1-.Ltmp0, $4  }
0xf: {  	s26 =	ssub.s32 s5, s7;
	s0 =	sadd.s32 s0, s28;
	s5 =	sadd.s32 $0x100, s1  }
0x10: {  	v2 =	vlaneseq.u32;
	s29 =	sadd.s32 s4, s2;
	s2 =	simm.s32 $0xF800;
	s4 =	simm.s32 $0x10000  }
0x11: {  	vm0 =	vmmov $0xffff;
	v1 =	vshrl.u32 v2, $0x3;
	[dreg:$0x4] =	wrdreg s0;
	s31 =	smax.u32 s26, $0x1;
	s7 =	sadd.s32 $0x600, s29  }
0x12: {  	v0 =	vand.u32 $0x7, v2;
	v2 =	vor.u32 $0x8, v2;
	v1 =	vmul.u32 $0x8, v1;
	s26 =	simm.s32 $0x4;
	s0 =	simm.s32 $0x0;
	[dreg:$0x5] =	wrdreg s31  }
.LBB2_6:
0x13: {  	_ =	swait.ge [sflag:s25], $0xA000  }
0x14: {  	[sflag:s25] =	ssyncset.done $0x0  }
0x15: {  	[sflag:s25] =	ssyncadd.s32 $0xFFFF6000  }
0x16: {  	_ =	swait.ge [sflag:s26], $0xA000  }
0x17: {  	s0 =	rddreg [dreg:$0x6]  }
0x18: {  	s28 =	rddreg [dreg:$0x5];
	s0 =	sadd.s32 $0x1, s0  }
0x19: {  	p0 =	sne.s32 s0, s28  }
.Ltmp1:
0x1a: {  	_ = 	snop;
	(pc) =	sbr.rel @!p0 .LBB2_7-.Ltmp1, $3  }
0x1b: {  	_ =	sdelay $0x1  }
0x1c: {  	[sflag:s26] =	ssyncset.done $0x0  }
0x1d: {  	[sflag:s26] =	ssyncadd.s32 $0xFFFF6000  }
.LBB2_1:
0x1e: {  	s28 =	rddreg [dreg:$0x4]  }
0x1f: {  	[tilespmem:s3], [sflag:$0x5] =	stream.linear.gather [hbm4b:s28+s3], $0x4000, $0x38;
	[tilespmem:$0x18000] =	vst v63  }
0x20: {  	[dreg:$0x6] =	wrdreg s0;
	s28 =	simm.s32 $0x5  }
0x21: {  	_ =	swait.ge [sflag:s28], $0x4000  }
0x22: {  	[sflag:s28] =	ssyncset.done $0x0  }
0x23: {  	[sflag:s28] =	ssyncadd.s32 $0xFFFFC000  }
0x24: {  	v3 =	vld [tilespmem:$0x0];
	_ =	sdelay $0x4  }
0x25: {  	v4 =	vshll.u32 v3, $0x2  }
0x26: {  	v3 =	vand.u32 $0x7, v3;
	v4 =	vand.u32 $0xFFFFFFE0, v4  }
0x27: {  	v3 =	vor.u32 v3, v4  }
0x28: {  	v4 =	vperm.xlane v3, v0;
	_ =	sdelay $0x1  }
0x29: {  	v4 =	vadd.s32 v1, v4;
	_ =	sdelay $0x1  }
0x2a: {  	v3 =	vperm.xlane v3, v2;
	_ =	sdelay $0x1  }
0x2b: {  	v3 =	vadd.s32 v1, v3  }
0x2c: {  	[tilespmem:s9], [sflag:$0x1] =	stream.indirect_vreg.gather [hbm4b:s1+s3], $0x80, v4, vm0, $0xb8;
	[tilespmem:$0x18000] =	vst v63  }
0x2d: {  	s28 =	simm.s32 $0x4800  }
0x2e: {  	[tilespmem:s28], [sflag:$0x1] =	stream.indirect_vreg.gather [hbm4b:s5+s3], $0x80, v4, vm0, $0xb8;
	[tilespmem:$0x18000] =	vst v63  }
0x2f: {  	s31 =	simm.s32 $0x5000  }
0x30: {  	[tilespmem:s31], [sflag:$0x1] =	stream.indirect_vreg.gather [hbm4b:s1+s3], $0x80, v3, vm0, $0xb8;
	[tilespmem:$0x18000] =	vst v63  }
0x31: {  	s31 =	simm.s32 $0x5800  }
0x32: {  	[tilespmem:s31], [sflag:$0x1] =	stream.indirect_vreg.gather [hbm4b:s5+s3], $0x80, v3, vm0, $0xb8;
	[tilespmem:$0x18000] =	vst v63  }
0x33: {  	v3 =	vld [tilespmem:$0x10];
	_ =	sdelay $0x4  }
0x34: {  	v55 =	vshll.u32 v3, $0x2  }
0x35: {  	v3 =	vand.u32 $0x7, v3;
	v4 =	vand.u32 $0xFFFFFFE0, v55  }
0x36: {  	v3 =	vor.u32 v3, v4  }
0x37: {  	v4 =	vperm.xlane v3, v0;
	_ =	sdelay $0x1  }
0x38: {  	v4 =	vadd.s32 v1, v4;
	_ =	sdelay $0x1  }
0x39: {  	v3 =	vperm.xlane v3, v2;
	_ =	sdelay $0x1  }
0x3a: {  	s31 =	simm.s32 $0x6000;
	v3 =	vadd.s32 v1, v3  }
0x3b: {  	[tilespmem:s31], [sflag:$0x1] =	stream.indirect_vreg.gather [hbm4b:s1+s3], $0x80, v4, vm0, $0xb8;
	[tilespmem:$0x18000] =	vst v63  }
0x3c: {  	s31 =	simm.s32 $0x6800  }
0x3d: {  	[tilespmem:s31], [sflag:$0x1] =	stream.indirect_vreg.gather [hbm4b:s5+s3], $0x80, v4, vm0, $0xb8;
	[tilespmem:$0x18000] =	vst v63  }
0x3e: {  	s31 =	simm.s32 $0x7000  }
0x3f: {  	[tilespmem:s31], [sflag:$0x1] =	stream.indirect_vreg.gather [hbm4b:s1+s3], $0x80, v3, vm0, $0xb8;
	[tilespmem:$0x18000] =	vst v63  }
0x40: {  	s31 =	simm.s32 $0x7800  }
0x41: {  	[tilespmem:s31], [sflag:$0x1] =	stream.indirect_vreg.gather [hbm4b:s5+s3], $0x80, v3, vm0, $0xb8;
	[tilespmem:$0x18000] =	vst v63  }
0x42: {  	v3 =	vld [tilespmem:$0x20];
	_ =	sdelay $0x4  }
0x43: {  	v56 =	vshll.u32 v3, $0x2  }
0x44: {  	v3 =	vand.u32 $0x7, v3;
	v4 =	vand.u32 $0xFFFFFFE0, v56  }
0x45: {  	v3 =	vor.u32 v3, v4  }
0x46: {  	v4 =	vperm.xlane v3, v0;
	_ =	sdelay $0x1  }
0x47: {  	v4 =	vadd.s32 v1, v4;
	_ =	sdelay $0x1  }
0x48: {  	v3 =	vperm.xlane v3, v2;
	_ =	sdelay $0x1  }
0x49: {  	s31 =	simm.s32 $0x8000;
	v3 =	vadd.s32 v1, v3  }
0x4a: {  	[tilespmem:s31], [sflag:$0x1] =	stream.indirect_vreg.gather [hbm4b:s1+s3], $0x80, v4, vm0, $0xb8;
	[tilespmem:$0x18000] =	vst v63  }
0x4b: {  	s31 =	simm.s32 $0x8800  }
0x4c: {  	[tilespmem:s31], [sflag:$0x1] =	stream.indirect_vreg.gather [hbm4b:s5+s3], $0x80, v4, vm0, $0xb8;
	[tilespmem:$0x18000] =	vst v63  }
0x4d: {  	s31 =	simm.s32 $0x9000  }
0x4e: {  	[tilespmem:s31], [sflag:$0x1] =	stream.indirect_vreg.gather [hbm4b:s1+s3], $0x80, v3, vm0, $0xb8;
	[tilespmem:$0x18000] =	vst v63  }
0x4f: {  	s31 =	simm.s32 $0x9800  }
0x50: {  	[tilespmem:s31], [sflag:$0x1] =	stream.indirect_vreg.gather [hbm4b:s5+s3], $0x80, v3, vm0, $0xb8;
	[tilespmem:$0x18000] =	vst v63  }
0x51: {  	v3 =	vld [tilespmem:$0x30];
	_ =	sdelay $0x4  }
0x52: {  	v57 =	vshll.u32 v3, $0x2  }
0x53: {  	v3 =	vand.u32 $0x7, v3;
	v4 =	vand.u32 $0xFFFFFFE0, v57  }
0x54: {  	v3 =	vor.u32 v3, v4  }
0x55: {  	v4 =	vperm.xlane v3, v0;
	_ =	sdelay $0x1  }
0x56: {  	v4 =	vadd.s32 v1, v4;
	_ =	sdelay $0x1  }
0x57: {  	v3 =	vperm.xlane v3, v2;
	_ =	sdelay $0x1  }
0x58: {  	s31 =	simm.s32 $0xA000;
	v3 =	vadd.s32 v1, v3  }
0x59: {  	[tilespmem:s31], [sflag:$0x1] =	stream.indirect_vreg.gather [hbm4b:s1+s3], $0x80, v4, vm0, $0xb8;
	[tilespmem:$0x18000] =	vst v63  }
0x5a: {  	s31 =	simm.s32 $0xA800  }
0x5b: {  	[tilespmem:s31], [sflag:$0x1] =	stream.indirect_vreg.gather [hbm4b:s5+s3], $0x80, v4, vm0, $0xb8;
	[tilespmem:$0x18000] =	vst v63  }
0x5c: {  	s31 =	simm.s32 $0xB000  }
0x5d: {  	[tilespmem:s31], [sflag:$0x1] =	stream.indirect_vreg.gather [hbm4b:s1+s3], $0x80, v3, vm0, $0xb8;
	[tilespmem:$0x18000] =	vst v63  }
0x5e: {  	s31 =	simm.s32 $0xB800  }
0x5f: {  	[tilespmem:s31], [sflag:$0x1] =	stream.indirect_vreg.gather [hbm4b:s5+s3], $0x80, v3, vm0, $0xb8;
	[tilespmem:$0x18000] =	vst v63  }
0x60: {  	v3 =	vld [tilespmem:$0x40];
	_ =	sdelay $0x4  }
0x61: {  	v58 =	vshll.u32 v3, $0x2  }
0x62: {  	v3 =	vand.u32 $0x7, v3;
	v4 =	vand.u32 $0xFFFFFFE0, v58  }
0x63: {  	v3 =	vor.u32 v3, v4  }
0x64: {  	v4 =	vperm.xlane v3, v0;
	_ =	sdelay $0x1  }
0x65: {  	v4 =	vadd.s32 v1, v4;
	_ =	sdelay $0x1  }
0x66: {  	v3 =	vperm.xlane v3, v2;
	_ =	sdelay $0x1  }
0x67: {  	s31 =	simm.s32 $0xC000;
	v3 =	vadd.s32 v1, v3  }
0x68: {  	[tilespmem:s31], [sflag:$0x1] =	stream.indirect_vreg.gather [hbm4b:s1+s3], $0x80, v4, vm0, $0xb8;
	[tilespmem:$0x18000] =	vst v63  }
0x69: {  	s31 =	simm.s32 $0xC800  }
0x6a: {  	[tilespmem:s31], [sflag:$0x1] =	stream.indirect_vreg.gather [hbm4b:s5+s3], $0x80, v4, vm0, $0xb8;
	[tilespmem:$0x18000] =	vst v63  }
0x6b: {  	s31 =	simm.s32 $0xD000  }
0x6c: {  	[tilespmem:s31], [sflag:$0x1] =	stream.indirect_vreg.gather [hbm4b:s1+s3], $0x80, v3, vm0, $0xb8;
	[tilespmem:$0x18000] =	vst v63  }
0x6d: {  	s31 =	simm.s32 $0xD800  }
0x6e: {  	[tilespmem:s31], [sflag:$0x1] =	stream.indirect_vreg.gather [hbm4b:s5+s3], $0x80, v3, vm0, $0xb8;
	[tilespmem:$0x18000] =	vst v63  }
0x6f: {  	v3 =	vld [tilespmem:$0x80];
	_ =	sdelay $0x4  }
0x70: {  	v59 =	vshll.u32 v3, $0x2  }
0x71: {  	v3 =	vand.u32 $0x7, v3;
	v4 =	vand.u32 $0xFFFFFFE0, v59  }
0x72: {  	v3 =	vor.u32 v3, v4  }
0x73: {  	v4 =	vperm.xlane v3, v0;
	_ =	sdelay $0x1  }
0x74: {  	v4 =	vadd.s32 v1, v4;
	_ =	sdelay $0x1  }
0x75: {  	v3 =	vperm.xlane v3, v2;
	_ =	sdelay $0x1  }
0x76: {  	v3 =	vadd.s32 v1, v3  }
0x77: {  	[tilespmem:s30], [sflag:$0x2] =	stream.indirect_vreg.gather [hbm4b:s1+s3], $0x80, v4, vm0, $0xb8;
	[tilespmem:$0x18000] =	vst v63  }
0x78: {  	s31 =	simm.s32 $0xE800  }
0x79: {  	[tilespmem:s31], [sflag:$0x2] =	stream.indirect_vreg.gather [hbm4b:s5+s3], $0x80, v4, vm0, $0xb8;
	[tilespmem:$0x18000] =	vst v63  }
0x7a: {  	s31 =	simm.s32 $0xF000  }
0x7b: {  	[tilespmem:s31], [sflag:$0x2] =	stream.indirect_vreg.gather [hbm4b:s1+s3], $0x80, v3, vm0, $0xb8;
	[tilespmem:$0x18000] =	vst v63  }
0x7c: {  	_ = 	snop  }
0x7d: {  	[tilespmem:s2], [sflag:$0x2] =	stream.indirect_vreg.gather [hbm4b:s5+s3], $0x80, v3, vm0, $0xb8;
	[tilespmem:$0x18000] =	vst v63  }
0x7e: {  	v3 =	vld [tilespmem:$0x90];
	_ =	sdelay $0x4  }
0x7f: {  	v60 =	vshll.u32 v3, $0x2  }
0x80: {  	v3 =	vand.u32 $0x7, v3;
	v4 =	vand.u32 $0xFFFFFFE0, v60  }
0x81: {  	v3 =	vor.u32 v3, v4  }
0x82: {  	v4 =	vperm.xlane v3, v0;
	_ =	sdelay $0x1  }
0x83: {  	v4 =	vadd.s32 v1, v4;
	_ =	sdelay $0x1  }
0x84: {  	v3 =	vperm.xlane v3, v2;
	_ =	sdelay $0x1  }
0x85: {  	v3 =	vadd.s32 v1, v3  }
0x86: {  	[tilespmem:s4], [sflag:$0x2] =	stream.indirect_vreg.gather [hbm4b:s1+s3], $0x80, v4, vm0, $0xb8;
	[tilespmem:$0x18000] =	vst v63  }
0x87: {  	_ = 	snop  }
0x88: {  	[tilespmem:s6], [sflag:$0x2] =	stream.indirect_vreg.gather [hbm4b:s5+s3], $0x80, v4, vm0, $0xb8;
	[tilespmem:$0x18000] =	vst v63  }
0x89: {  	_ = 	snop  }
0x8a: {  	[tilespmem:s8], [sflag:$0x2] =	stream.indirect_vreg.gather [hbm4b:s1+s3], $0x80, v3, vm0, $0xb8;
	[tilespmem:$0x18000] =	vst v63  }
0x8b: {  	_ = 	snop  }
0x8c: {  	[tilespmem:s10], [sflag:$0x2] =	stream.indirect_vreg.gather [hbm4b:s5+s3], $0x80, v3, vm0, $0xb8;
	[tilespmem:$0x18000] =	vst v63  }
0x8d: {  	v3 =	vld [tilespmem:$0xA0];
	_ =	sdelay $0x4  }
0x8e: {  	v61 =	vshll.u32 v3, $0x2  }
0x8f: {  	v3 =	vand.u32 $0x7, v3;
	v4 =	vand.u32 $0xFFFFFFE0, v61  }
0x90: {  	v3 =	vor.u32 v3, v4  }
0x91: {  	v4 =	vperm.xlane v3, v0;
	_ =	sdelay $0x1  }
0x92: {  	v4 =	vadd.s32 v1, v4;
	_ =	sdelay $0x1  }
0x93: {  	v3 =	vperm.xlane v3, v2;
	_ =	sdelay $0x1  }
0x94: {  	v3 =	vadd.s32 v1, v3  }
0x95: {  	[tilespmem:s11], [sflag:$0x2] =	stream.indirect_vreg.gather [hbm4b:s1+s3], $0x80, v4, vm0, $0xb8;
	[tilespmem:$0x18000] =	vst v63  }
0x96: {  	_ = 	snop  }
0x97: {  	[tilespmem:s12], [sflag:$0x2] =	stream.indirect_vreg.gather [hbm4b:s5+s3], $0x80, v4, vm0, $0xb8;
	[tilespmem:$0x18000] =	vst v63  }
0x98: {  	_ = 	snop  }
0x99: {  	[tilespmem:s13], [sflag:$0x2] =	stream.indirect_vreg.gather [hbm4b:s1+s3], $0x80, v3, vm0, $0xb8;
	[tilespmem:$0x18000] =	vst v63  }
0x9a: {  	_ = 	snop  }
0x9b: {  	[tilespmem:s14], [sflag:$0x2] =	stream.indirect_vreg.gather [hbm4b:s5+s3], $0x80, v3, vm0, $0xb8;
	[tilespmem:$0x18000] =	vst v63  }
0x9c: {  	v3 =	vld [tilespmem:$0xB0];
	_ =	sdelay $0x4  }
0x9d: {  	v62 =	vshll.u32 v3, $0x2  }
0x9e: {  	v3 =	vand.u32 $0x7, v3;
	v4 =	vand.u32 $0xFFFFFFE0, v62  }
0x9f: {  	v3 =	vor.u32 v3, v4  }
0xa0: {  	v4 =	vperm.xlane v3, v0;
	_ =	sdelay $0x1  }
0xa1: {  	v4 =	vadd.s32 v1, v4;
	_ =	sdelay $0x1  }
0xa2: {  	v3 =	vperm.xlane v3, v2;
	_ =	sdelay $0x1  }
0xa3: {  	v3 =	vadd.s32 v1, v3  }
0xa4: {  	[tilespmem:s15], [sflag:$0x2] =	stream.indirect_vreg.gather [hbm4b:s1+s3], $0x80, v4, vm0, $0xb8;
	[tilespmem:$0x18000] =	vst v63  }
0xa5: {  	_ = 	snop  }
0xa6: {  	[tilespmem:s16], [sflag:$0x2] =	stream.indirect_vreg.gather [hbm4b:s5+s3], $0x80, v4, vm0, $0xb8;
	[tilespmem:$0x18000] =	vst v63  }
0xa7: {  	_ = 	snop  }
0xa8: {  	[tilespmem:s17], [sflag:$0x2] =	stream.indirect_vreg.gather [hbm4b:s1+s3], $0x80, v3, vm0, $0xb8;
	[tilespmem:$0x18000] =	vst v63  }
0xa9: {  	_ = 	snop  }
0xaa: {  	[tilespmem:s18], [sflag:$0x2] =	stream.indirect_vreg.gather [hbm4b:s5+s3], $0x80, v3, vm0, $0xb8;
	[tilespmem:$0x18000] =	vst v63  }
0xab: {  	v3 =	vld [tilespmem:$0xC0];
	_ =	sdelay $0x4  }
0xac: {  	v63 =	vshll.u32 v3, $0x2  }
0xad: {  	v3 =	vand.u32 $0x7, v3;
	v4 =	vand.u32 $0xFFFFFFE0, v63  }
0xae: {  	v3 =	vor.u32 v3, v4  }
0xaf: {  	v4 =	vperm.xlane v3, v0;
	_ =	sdelay $0x1  }
0xb0: {  	v4 =	vadd.s32 v1, v4;
	_ =	sdelay $0x1  }
0xb1: {  	v3 =	vperm.xlane v3, v2;
	_ =	sdelay $0x1  }
0xb2: {  	v3 =	vadd.s32 v1, v3  }
0xb3: {  	[tilespmem:s19], [sflag:$0x2] =	stream.indirect_vreg.gather [hbm4b:s1+s3], $0x80, v4, vm0, $0xb8;
	[tilespmem:$0x18000] =	vst v63  }
0xb4: {  	_ = 	snop  }
0xb5: {  	[tilespmem:s20], [sflag:$0x2] =	stream.indirect_vreg.gather [hbm4b:s5+s3], $0x80, v4, vm0, $0xb8;
	[tilespmem:$0x18000] =	vst v63  }
0xb6: {  	_ = 	snop  }
0xb7: {  	[tilespmem:s21], [sflag:$0x2] =	stream.indirect_vreg.gather [hbm4b:s1+s3], $0x80, v3, vm0, $0xb8;
	[tilespmem:$0x18000] =	vst v63  }
0xb8: {  	s29 =	simm.s32 $0x0;
	s28 =	simm.s32 $0x1C0  }
0xb9: {  	[tilespmem:s22], [sflag:$0x2] =	stream.indirect_vreg.gather [hbm4b:s5+s3], $0x80, v3, vm0, $0xb8;
	[tilespmem:$0x18000] =	vst v63  }
.LBB2_2:
0xba: {  	p0 =	seq.s32 s29, $0x9D800  }
.Ltmp2:
0xbb: {  	_ = 	snop;
	(pc) =	sbr.rel @p0 .LBB2_4-.Ltmp2, $4  }
0xbc: {  	_ =	swait.ge [sflag:s23], $0xA000  }
0xbd: {  	[sflag:s23] =	ssyncset.done $0x0  }
0xbe: {  	s31 =	sadd.s32 s29, s7;
	[sflag:s23] =	ssyncadd.s32 $0xFFFF6000  }
0xbf: {  	[hbm4b:s31+s3] =	stream.linear.scatter [tilespmem:s9], [sflag:$0x3], $0xA000, $0x38;
	[tilespmem:$0x18000] =	vst v63  }
0xc0: {  	_ =	swait.ge [sflag:s25], $0xA000  }
0xc1: {  	[sflag:s25] =	ssyncset.done $0x0  }
0xc2: {  	[sflag:s25] =	ssyncadd.s32 $0xFFFF6000  }
0xc3: {  	v3 =	vld [tilespmem:s28+$0xFFFFFF40];
	_ =	sdelay $0x4  }
0xc4: {  	v4 =	vshll.u32 v3, $0x2  }
0xc5: {  	v3 =	vand.u32 $0x7, v3;
	v4 =	vand.u32 $0xFFFFFFE0, v4  }
0xc6: {  	v3 =	vor.u32 v3, v4  }
0xc7: {  	v4 =	vperm.xlane v3, v0;
	_ =	sdelay $0x1  }
0xc8: {  	v4 =	vadd.s32 v1, v4;
	_ =	sdelay $0x1  }
0xc9: {  	v3 =	vperm.xlane v3, v2;
	_ =	sdelay $0x1  }
0xca: {  	v3 =	vadd.s32 v1, v3  }
0xcb: {  	[tilespmem:s9], [sflag:$0x1] =	stream.indirect_vreg.gather [hbm4b:s1+s3], $0x80, v4, vm0, $0xb8;
	[tilespmem:$0x18000] =	vst v63  }
0xcc: {  	s0 =	simm.s32 $0x4800  }
0xcd: {  	[tilespmem:s0], [sflag:$0x1] =	stream.indirect_vreg.gather [hbm4b:s5+s3], $0x80, v4, vm0, $0xb8;
	[tilespmem:$0x18000] =	vst v63  }
0xce: {  	s0 =	simm.s32 $0x5000  }
0xcf: {  	[tilespmem:s0], [sflag:$0x1] =	stream.indirect_vreg.gather [hbm4b:s1+s3], $0x80, v3, vm0, $0xb8;
	[tilespmem:$0x18000] =	vst v63  }
0xd0: {  	s0 =	simm.s32 $0x5800  }
0xd1: {  	[tilespmem:s0], [sflag:$0x1] =	stream.indirect_vreg.gather [hbm4b:s5+s3], $0x80, v3, vm0, $0xb8;
	[tilespmem:$0x18000] =	vst v63  }
0xd2: {  	v3 =	vld [tilespmem:s28+$0xFFFFFF50];
	_ =	sdelay $0x4  }
0xd3: {  	v60 =	vshll.u32 v3, $0x2  }
0xd4: {  	v3 =	vand.u32 $0x7, v3;
	v4 =	vand.u32 $0xFFFFFFE0, v60  }
0xd5: {  	v3 =	vor.u32 v3, v4  }
0xd6: {  	v4 =	vperm.xlane v3, v0;
	_ =	sdelay $0x1  }
0xd7: {  	v4 =	vadd.s32 v1, v4;
	_ =	sdelay $0x1  }
0xd8: {  	v3 =	vperm.xlane v3, v2;
	_ =	sdelay $0x1  }
0xd9: {  	s0 =	simm.s32 $0x6000;
	v3 =	vadd.s32 v1, v3  }
0xda: {  	[tilespmem:s0], [sflag:$0x1] =	stream.indirect_vreg.gather [hbm4b:s1+s3], $0x80, v4, vm0, $0xb8;
	[tilespmem:$0x18000] =	vst v63  }
0xdb: {  	s0 =	simm.s32 $0x6800  }
0xdc: {  	[tilespmem:s0], [sflag:$0x1] =	stream.indirect_vreg.gather [hbm4b:s5+s3], $0x80, v4, vm0, $0xb8;
	[tilespmem:$0x18000] =	vst v63  }
0xdd: {  	s0 =	simm.s32 $0x7000  }
0xde: {  	[tilespmem:s0], [sflag:$0x1] =	stream.indirect_vreg.gather [hbm4b:s1+s3], $0x80, v3, vm0, $0xb8;
	[tilespmem:$0x18000] =	vst v63  }
0xdf: {  	s0 =	simm.s32 $0x7800  }
0xe0: {  	[tilespmem:s0], [sflag:$0x1] =	stream.indirect_vreg.gather [hbm4b:s5+s3], $0x80, v3, vm0, $0xb8;
	[tilespmem:$0x18000] =	vst v63  }
0xe1: {  	v3 =	vld [tilespmem:s28+$0xFFFFFF60];
	_ =	sdelay $0x4  }
0xe2: {  	v61 =	vshll.u32 v3, $0x2  }
0xe3: {  	v3 =	vand.u32 $0x7, v3;
	v4 =	vand.u32 $0xFFFFFFE0, v61  }
0xe4: {  	v3 =	vor.u32 v3, v4  }
0xe5: {  	v4 =	vperm.xlane v3, v0;
	_ =	sdelay $0x1  }
0xe6: {  	v4 =	vadd.s32 v1, v4;
	_ =	sdelay $0x1  }
0xe7: {  	v3 =	vperm.xlane v3, v2;
	_ =	sdelay $0x1  }
0xe8: {  	s0 =	simm.s32 $0x8000;
	v3 =	vadd.s32 v1, v3  }
0xe9: {  	[tilespmem:s0], [sflag:$0x1] =	stream.indirect_vreg.gather [hbm4b:s1+s3], $0x80, v4, vm0, $0xb8;
	[tilespmem:$0x18000] =	vst v63  }
0xea: {  	s0 =	simm.s32 $0x8800  }
0xeb: {  	[tilespmem:s0], [sflag:$0x1] =	stream.indirect_vreg.gather [hbm4b:s5+s3], $0x80, v4, vm0, $0xb8;
	[tilespmem:$0x18000] =	vst v63  }
0xec: {  	s0 =	simm.s32 $0x9000  }
0xed: {  	[tilespmem:s0], [sflag:$0x1] =	stream.indirect_vreg.gather [hbm4b:s1+s3], $0x80, v3, vm0, $0xb8;
	[tilespmem:$0x18000] =	vst v63  }
0xee: {  	s0 =	simm.s32 $0x9800  }
0xef: {  	[tilespmem:s0], [sflag:$0x1] =	stream.indirect_vreg.gather [hbm4b:s5+s3], $0x80, v3, vm0, $0xb8;
	[tilespmem:$0x18000] =	vst v63  }
0xf0: {  	v3 =	vld [tilespmem:s28+$0xFFFFFF70];
	_ =	sdelay $0x4  }
0xf1: {  	v62 =	vshll.u32 v3, $0x2  }
0xf2: {  	v3 =	vand.u32 $0x7, v3;
	v4 =	vand.u32 $0xFFFFFFE0, v62  }
0xf3: {  	v3 =	vor.u32 v3, v4  }
0xf4: {  	v4 =	vperm.xlane v3, v0;
	_ =	sdelay $0x1  }
0xf5: {  	v4 =	vadd.s32 v1, v4;
	_ =	sdelay $0x1  }
0xf6: {  	v3 =	vperm.xlane v3, v2;
	_ =	sdelay $0x1  }
0xf7: {  	s0 =	simm.s32 $0xA000;
	v3 =	vadd.s32 v1, v3  }
0xf8: {  	[tilespmem:s0], [sflag:$0x1] =	stream.indirect_vreg.gather [hbm4b:s1+s3], $0x80, v4, vm0, $0xb8;
	[tilespmem:$0x18000] =	vst v63  }
0xf9: {  	s0 =	simm.s32 $0xA800  }
0xfa: {  	[tilespmem:s0], [sflag:$0x1] =	stream.indirect_vreg.gather [hbm4b:s5+s3], $0x80, v4, vm0, $0xb8;
	[tilespmem:$0x18000] =	vst v63  }
0xfb: {  	s0 =	simm.s32 $0xB000  }
0xfc: {  	[tilespmem:s0], [sflag:$0x1] =	stream.indirect_vreg.gather [hbm4b:s1+s3], $0x80, v3, vm0, $0xb8;
	[tilespmem:$0x18000] =	vst v63  }
0xfd: {  	s0 =	simm.s32 $0xB800  }
0xfe: {  	[tilespmem:s0], [sflag:$0x1] =	stream.indirect_vreg.gather [hbm4b:s5+s3], $0x80, v3, vm0, $0xb8;
	[tilespmem:$0x18000] =	vst v63  }
0xff: {  	v3 =	vld [tilespmem:s28+$0xFFFFFF80];
	_ =	sdelay $0x4  }
0x100: {  	v63 =	vshll.u32 v3, $0x2  }
0x101: {  	v3 =	vand.u32 $0x7, v3;
	v4 =	vand.u32 $0xFFFFFFE0, v63  }
0x102: {  	v3 =	vor.u32 v3, v4  }
0x103: {  	v4 =	vperm.xlane v3, v0;
	_ =	sdelay $0x1  }
0x104: {  	v4 =	vadd.s32 v1, v4;
	_ =	sdelay $0x1  }
0x105: {  	v3 =	vperm.xlane v3, v2;
	_ =	sdelay $0x1  }
0x106: {  	s0 =	simm.s32 $0xC000;
	v3 =	vadd.s32 v1, v3  }
0x107: {  	[tilespmem:s0], [sflag:$0x1] =	stream.indirect_vreg.gather [hbm4b:s1+s3], $0x80, v4, vm0, $0xb8;
	[tilespmem:$0x18000] =	vst v63  }
0x108: {  	s0 =	simm.s32 $0xC800  }
0x109: {  	[tilespmem:s0], [sflag:$0x1] =	stream.indirect_vreg.gather [hbm4b:s5+s3], $0x80, v4, vm0, $0xb8;
	[tilespmem:$0x18000] =	vst v63  }
0x10a: {  	s0 =	simm.s32 $0xD000  }
0x10b: {  	[tilespmem:s0], [sflag:$0x1] =	stream.indirect_vreg.gather [hbm4b:s1+s3], $0x80, v3, vm0, $0xb8;
	[tilespmem:$0x18000] =	vst v63  }
0x10c: {  	s0 =	simm.s32 $0xD800  }
0x10d: {  	[tilespmem:s0], [sflag:$0x1] =	stream.indirect_vreg.gather [hbm4b:s5+s3], $0x80, v3, vm0, $0xb8;
	[tilespmem:$0x18000] =	vst v63  }
.LBB2_4:
.Ltmp3:
0x10e: {  	(pc) =	sbr.rel @p0 .LBB2_6-.Ltmp3, $4  }
0x10f: {  	_ =	swait.ge [sflag:s24], $0xA000  }
0x110: {  	[sflag:s24] =	ssyncset.done $0x0  }
0x111: {  	s31 =	sadd.s32 $0x1400, s31;
	[sflag:s24] =	ssyncadd.s32 $0xFFFF6000  }
0x112: {  	[hbm4b:s31+s3] =	stream.linear.scatter [tilespmem:s30], [sflag:$0x4], $0xA000, $0x38;
	[tilespmem:$0x18000] =	vst v63  }
0x113: {  	_ =	swait.ge [sflag:s26], $0xA000  }
0x114: {  	[sflag:s26] =	ssyncset.done $0x0  }
0x115: {  	[sflag:s26] =	ssyncadd.s32 $0xFFFF6000  }
0x116: {  	v3 =	vld [tilespmem:s28+$0xFFFFFFC0];
	_ =	sdelay $0x4  }
0x117: {  	v4 =	vshll.u32 v3, $0x2  }
0x118: {  	v3 =	vand.u32 $0x7, v3;
	v4 =	vand.u32 $0xFFFFFFE0, v4  }
0x119: {  	v3 =	vor.u32 v3, v4  }
0x11a: {  	v4 =	vperm.xlane v3, v0;
	_ =	sdelay $0x1  }
0x11b: {  	v4 =	vadd.s32 v1, v4;
	_ =	sdelay $0x1  }
0x11c: {  	v3 =	vperm.xlane v3, v2;
	_ =	sdelay $0x1  }
0x11d: {  	v3 =	vadd.s32 v1, v3  }
0x11e: {  	[tilespmem:s30], [sflag:$0x2] =	stream.indirect_vreg.gather [hbm4b:s1+s3], $0x80, v4, vm0, $0xb8;
	[tilespmem:$0x18000] =	vst v63  }
0x11f: {  	s0 =	simm.s32 $0xE800  }
0x120: {  	[tilespmem:s0], [sflag:$0x2] =	stream.indirect_vreg.gather [hbm4b:s5+s3], $0x80, v4, vm0, $0xb8;
	[tilespmem:$0x18000] =	vst v63  }
0x121: {  	s31 =	simm.s32 $0xF000  }
0x122: {  	[tilespmem:s31], [sflag:$0x2] =	stream.indirect_vreg.gather [hbm4b:s1+s3], $0x80, v3, vm0, $0xb8;
	[tilespmem:$0x18000] =	vst v63  }
0x123: {  	_ = 	snop  }
0x124: {  	[tilespmem:s2], [sflag:$0x2] =	stream.indirect_vreg.gather [hbm4b:s5+s3], $0x80, v3, vm0, $0xb8;
	[tilespmem:$0x18000] =	vst v63  }
0x125: {  	v3 =	vld [tilespmem:s28+$0xFFFFFFD0];
	_ =	sdelay $0x4  }
0x126: {  	v60 =	vshll.u32 v3, $0x2  }
0x127: {  	v3 =	vand.u32 $0x7, v3;
	v4 =	vand.u32 $0xFFFFFFE0, v60  }
0x128: {  	v3 =	vor.u32 v3, v4  }
0x129: {  	v4 =	vperm.xlane v3, v0;
	_ =	sdelay $0x1  }
0x12a: {  	v4 =	vadd.s32 v1, v4;
	_ =	sdelay $0x1  }
0x12b: {  	v3 =	vperm.xlane v3, v2;
	_ =	sdelay $0x1  }
0x12c: {  	v3 =	vadd.s32 v1, v3  }
0x12d: {  	[tilespmem:s4], [sflag:$0x2] =	stream.indirect_vreg.gather [hbm4b:s1+s3], $0x80, v4, vm0, $0xb8;
	[tilespmem:$0x18000] =	vst v63  }
0x12e: {  	_ = 	snop  }
0x12f: {  	[tilespmem:s6], [sflag:$0x2] =	stream.indirect_vreg.gather [hbm4b:s5+s3], $0x80, v4, vm0, $0xb8;
	[tilespmem:$0x18000] =	vst v63  }
0x130: {  	_ = 	snop  }
0x131: {  	[tilespmem:s8], [sflag:$0x2] =	stream.indirect_vreg.gather [hbm4b:s1+s3], $0x80, v3, vm0, $0xb8;
	[tilespmem:$0x18000] =	vst v63  }
0x132: {  	_ = 	snop  }
0x133: {  	[tilespmem:s10], [sflag:$0x2] =	stream.indirect_vreg.gather [hbm4b:s5+s3], $0x80, v3, vm0, $0xb8;
	[tilespmem:$0x18000] =	vst v63  }
0x134: {  	v3 =	vld [tilespmem:s28+$0xFFFFFFE0];
	_ =	sdelay $0x4  }
0x135: {  	v61 =	vshll.u32 v3, $0x2  }
0x136: {  	v3 =	vand.u32 $0x7, v3;
	v4 =	vand.u32 $0xFFFFFFE0, v61  }
0x137: {  	v3 =	vor.u32 v3, v4  }
0x138: {  	v4 =	vperm.xlane v3, v0;
	_ =	sdelay $0x1  }
0x139: {  	v4 =	vadd.s32 v1, v4;
	_ =	sdelay $0x1  }
0x13a: {  	v3 =	vperm.xlane v3, v2;
	_ =	sdelay $0x1  }
0x13b: {  	v3 =	vadd.s32 v1, v3  }
0x13c: {  	[tilespmem:s11], [sflag:$0x2] =	stream.indirect_vreg.gather [hbm4b:s1+s3], $0x80, v4, vm0, $0xb8;
	[tilespmem:$0x18000] =	vst v63  }
0x13d: {  	_ = 	snop  }
0x13e: {  	[tilespmem:s12], [sflag:$0x2] =	stream.indirect_vreg.gather [hbm4b:s5+s3], $0x80, v4, vm0, $0xb8;
	[tilespmem:$0x18000] =	vst v63  }
0x13f: {  	_ = 	snop  }
0x140: {  	[tilespmem:s13], [sflag:$0x2] =	stream.indirect_vreg.gather [hbm4b:s1+s3], $0x80, v3, vm0, $0xb8;
	[tilespmem:$0x18000] =	vst v63  }
0x141: {  	_ = 	snop  }
0x142: {  	[tilespmem:s14], [sflag:$0x2] =	stream.indirect_vreg.gather [hbm4b:s5+s3], $0x80, v3, vm0, $0xb8;
	[tilespmem:$0x18000] =	vst v63  }
0x143: {  	v3 =	vld [tilespmem:s28+$0xFFFFFFF0];
	_ =	sdelay $0x4  }
0x144: {  	v62 =	vshll.u32 v3, $0x2  }
0x145: {  	v3 =	vand.u32 $0x7, v3;
	v4 =	vand.u32 $0xFFFFFFE0, v62  }
0x146: {  	v3 =	vor.u32 v3, v4  }
0x147: {  	v4 =	vperm.xlane v3, v0;
	_ =	sdelay $0x1  }
0x148: {  	v4 =	vadd.s32 v1, v4;
	_ =	sdelay $0x1  }
0x149: {  	v3 =	vperm.xlane v3, v2;
	_ =	sdelay $0x1  }
0x14a: {  	v3 =	vadd.s32 v1, v3  }
0x14b: {  	[tilespmem:s15], [sflag:$0x2] =	stream.indirect_vreg.gather [hbm4b:s1+s3], $0x80, v4, vm0, $0xb8;
	[tilespmem:$0x18000] =	vst v63  }
0x14c: {  	_ = 	snop  }
0x14d: {  	[tilespmem:s16], [sflag:$0x2] =	stream.indirect_vreg.gather [hbm4b:s5+s3], $0x80, v4, vm0, $0xb8;
	[tilespmem:$0x18000] =	vst v63  }
0x14e: {  	_ = 	snop  }
0x14f: {  	[tilespmem:s17], [sflag:$0x2] =	stream.indirect_vreg.gather [hbm4b:s1+s3], $0x80, v3, vm0, $0xb8;
	[tilespmem:$0x18000] =	vst v63  }
0x150: {  	_ = 	snop  }
0x151: {  	[tilespmem:s18], [sflag:$0x2] =	stream.indirect_vreg.gather [hbm4b:s5+s3], $0x80, v3, vm0, $0xb8;
	[tilespmem:$0x18000] =	vst v63  }
0x152: {  	v3 =	vld [tilespmem:s28+$0x0];
	_ =	sdelay $0x4  }
0x153: {  	v63 =	vshll.u32 v3, $0x2  }
0x154: {  	v3 =	vand.u32 $0x7, v3;
	v4 =	vand.u32 $0xFFFFFFE0, v63  }
0x155: {  	v3 =	vor.u32 v3, v4  }
0x156: {  	v4 =	vperm.xlane v3, v0;
	_ =	sdelay $0x1  }
0x157: {  	v4 =	vadd.s32 v1, v4;
	_ =	sdelay $0x2  }
0x158: {  	v3 =	vperm.xlane v3, v2;
	_ =	sdelay $0x1  }
0x159: {  	v3 =	vadd.s32 v1, v3;
	[tilespmem:s19], [sflag:$0x2] =	stream.indirect_vreg.gather [hbm4b:s1+s3], $0x80, v4, vm0, $0xb8;
	[tilespmem:$0x18000] =	vst v63  }
0x15a: {  	_ = 	snop  }
0x15b: {  	[tilespmem:s20], [sflag:$0x2] =	stream.indirect_vreg.gather [hbm4b:s5+s3], $0x80, v4, vm0, $0xb8;
	[tilespmem:$0x18000] =	vst v63  }
.Ltmp4:
0x15c: {  	_ = 	snop;
	(pc) =	sbr.rel .LBB2_2-.Ltmp4, $4  }
0x15d: {  	_ = 	snop  }
0x15e: {  	[tilespmem:s21], [sflag:$0x2] =	stream.indirect_vreg.gather [hbm4b:s1+s3], $0x80, v3, vm0, $0xb8;
	[tilespmem:$0x18000] =	vst v63  }
0x15f: {  	s29 =	sadd.s32 $0x2800, s29;
	s28 =	sadd.s32 $0x100, s28  }
0x160: {  	[tilespmem:s22], [sflag:$0x2] =	stream.indirect_vreg.gather [hbm4b:s5+s3], $0x80, v3, vm0, $0xb8;
	[tilespmem:$0x18000] =	vst v63  }
.LBB2_7:
0x161: {  	_ =	sfence.sel $0x180000  }
0x162: {  	[bflag:$0x0] =	sbarrier.arrive $0xFFFF  }
0x163: {  	_ =	strace $0x90000047  }
0x164: {  	s0 =	stileid.u32;
	[bflag:$0x2] =	sbarrier.arrive $0xFFFF  }
0x165: {  	p0 =	sne.s32 s0, $0x0;
	s0 =	rddreg [dreg:$0x3]  }
0x166: {  	s0 =	sadd.s32 @!p0 $0x100000, s0  }
0x167: {  	[sflag:s0] =	ssyncadd.tile.s32 @!p0 $0x1;
	_ =	shalt  }
.Lfunc_end2:
_tile_overlayer_lowered:
.L_overlay_start_2:
0x168: {  	(tag) =	ssettag $0x2  }
0x169: {  	s0 =	rddreg [dreg:$0x0];
	s2 =	stileid.u32  }
0x16a: {  	s1 =	rddreg [dreg:$0x1];
	p0 =	sne.s32 s2, $0x0  }
0x16b: {  	s3 =	rddreg [dreg:$0x2];
	[bflag:$0x3] =	sbarrier.arrive $0xFFFF;
	s2 =	simm.s32 @!p0 $0x1C05  }
0x16c: {  	[timem:s3], [sflag:s2] =	dma.local @!p0 [hbm:s0], s1  }
0x16d: {  	s0 =	simm.s32 @!p0 $0x5  }
0x16e: {  	_ =	swait.ge @!p0 [sflag:s0], s1  }
0x16f: {  	s1 =	ssub.s32 @!p0 $0x0, s1;
	[sflag:s0] =	ssyncset.done @!p0 $0x0  }
0x170: {  	[sflag:s0] =	ssyncadd.s32 @!p0 s1  }
0x171: {  	[bflag:$0x3] =	sbarrier.arrive $0xFFFF  }
0x172: {  	_ =	shalt  }

</sc_bundles>
